<compile_context>
chip_gen: v7x
topology: tpu7x:2x2x1
jax: 0.10.2.dev20260603
libtpu: 0.0.44.dev20260713+nightly
codegen_flags: <defaults>
</compile_context>

<pallas_src>
import functools

import jax
import jax.numpy as jnp
from jax import lax
from jax.experimental import pallas as pl
from jax.experimental.pallas import tpu as pltpu
from jax.experimental.pallas import tpu_sc as plsc

_N = 10000
_E = 320000
_D = 128
_H = 16
_O = 2

_NSUB = 16
_NCORE = 2
_NW = _NSUB * _NCORE
_NP = 10240
_RPT = _NP // _NSUB
_EPW = _E // _NW
_CH = 80
_NCH = _EPW // _CH

_mesh = plsc.VectorSubcoreMesh(core_axis_name="c", subcore_axis_name="s")
_sc_params = pltpu.CompilerParams(use_tc_tiling_on_sc=False)


@functools.partial(
    pl.kernel,
    out_type=jax.ShapeDtypeStruct((_NCORE, _NP, _H), jnp.float32),
    mesh=_mesh,
    scratch_types=[
        pltpu.VMEM((_NCH, _CH), jnp.int32),
        pltpu.VMEM((_CH, _H), jnp.float32),
        pltpu.VMEM((_RPT, _H), jnp.float32),
        pltpu.VMEM_SHARED((_NP, _H), jnp.float32),
    ],
    compiler_params=_sc_params,
)
def _deg_kernel(dstr_hbm, out_hbm, idx_v, ones_v, zbuf_v, acc_sh):
    c = lax.axis_index("c")
    s = lax.axis_index("s")
    wid = c * _NSUB + s
    zero16 = jnp.zeros((16,), jnp.float32)
    ones16 = jnp.ones((16,), jnp.float32)

    def zbody(i, carry):
        zbuf_v[i, :] = zero16
        return carry

    lax.fori_loop(0, _RPT, zbody, 0)

    def obody(i, carry):
        ones_v[i, :] = ones16
        return carry

    lax.fori_loop(0, _CH, obody, 0)
    pltpu.sync_copy(zbuf_v, acc_sh.at[pl.ds(s * _RPT, _RPT)])
    pltpu.sync_copy(dstr_hbm.at[wid], idx_v)
    plsc.subcore_barrier()

    def body(j, carry):
        pltpu.sync_copy(ones_v, acc_sh.at[idx_v.at[j]], add=True)
        return carry

    lax.fori_loop(0, _NCH, body, 0)
    plsc.subcore_barrier()
    pltpu.sync_copy(acc_sh.at[pl.ds(s * _RPT, _RPT)],
                    out_hbm.at[c, pl.ds(s * _RPT, _RPT)])


@functools.partial(
    pl.kernel,
    out_type=jax.ShapeDtypeStruct((_NCORE, _NP, _H), jnp.float32),
    mesh=_mesh,
    scratch_types=[
        pltpu.VMEM((_NCH, _CH), jnp.int32),
        pltpu.VMEM((_NCH, _CH), jnp.int32),
        pltpu.VMEM((_CH, _H), jnp.float32),
        pltpu.VMEM((_RPT, _H), jnp.float32),
        pltpu.VMEM_SHARED((_NP, _H), jnp.float32),
        pltpu.SemaphoreType.DMA,
    ],
    compiler_params=_sc_params,
)
def _agg_kernel(y_hbm, srcr_hbm, dstr_hbm, out_hbm,
                idxs_v, idxd_v, rows_v, zbuf_v, acc_sh, sem):
    c = lax.axis_index("c")
    s = lax.axis_index("s")
    wid = c * _NSUB + s
    zero16 = jnp.zeros((16,), jnp.float32)

    def zbody(i, carry):
        zbuf_v[i, :] = zero16
        return carry

    lax.fori_loop(0, _RPT, zbody, 0)
    pltpu.sync_copy(zbuf_v, acc_sh.at[pl.ds(s * _RPT, _RPT)])
    pltpu.sync_copy(srcr_hbm.at[wid], idxs_v)
    pltpu.sync_copy(dstr_hbm.at[wid], idxd_v)
    plsc.subcore_barrier()

    def body(j, carry):
        pltpu.async_copy(y_hbm.at[idxs_v.at[j]], rows_v, sem).wait()
        pltpu.sync_copy(rows_v, acc_sh.at[idxd_v.at[j]], add=True)
        return carry

    lax.fori_loop(0, _NCH, body, 0)
    plsc.subcore_barrier()
    pltpu.sync_copy(acc_sh.at[pl.ds(s * _RPT, _RPT)],
                    out_hbm.at[c, pl.ds(s * _RPT, _RPT)])


def _prep_body(parts_ref, x_ref, w1_ref, y_ref, inv_ref):
    deg = parts_ref[0, :, 0] + parts_ref[1, :, 0] + 1.0
    inv = lax.rsqrt(deg)
    xw = jnp.dot(x_ref[...], w1_ref[...], preferred_element_type=jnp.float32)
    y_ref[...] = xw * inv[:, None]
    inv_ref[...] = jnp.broadcast_to(inv[:, None], (_NP, _H))


_prep = pl.pallas_call(
    _prep_body,
    out_shape=[
        jax.ShapeDtypeStruct((_NP, _H), jnp.float32),
        jax.ShapeDtypeStruct((_NP, _H), jnp.float32),
    ],
)


def _mid_body(p_ref, y_ref, inv_ref, b_ref, w2_ref, y2_ref):
    srec = p_ref[0] + p_ref[1] + y_ref[...]
    h = jnp.maximum(inv_ref[...] * srec + b_ref[...], 0.0)
    y2_ref[...] = jnp.dot(h, w2_ref[...],
                          preferred_element_type=jnp.float32) * inv_ref[...]


_mid = pl.pallas_call(
    _mid_body,
    out_shape=jax.ShapeDtypeStruct((_NP, _H), jnp.float32),
)


def _fin_body(p_ref, y2_ref, inv_ref, b2_ref, wfc_ref, bfc_ref, out_ref):
    srec = p_ref[0] + p_ref[1] + y2_ref[...]
    h = jnp.maximum(inv_ref[...] * srec + b2_ref[...], 0.0)
    logits = jnp.dot(h, wfc_ref[...],
                     preferred_element_type=jnp.float32) + bfc_ref[...]
    m = jnp.max(logits, axis=1, keepdims=True)
    lse = jnp.log(jnp.sum(jnp.exp(logits - m), axis=1, keepdims=True)) + m
    out_ref[...] = logits - lse


_fin = pl.pallas_call(
    _fin_body,
    out_shape=jax.ShapeDtypeStruct((_NP, _O), jnp.float32),
)


def kernel(x, edge_index, W1, b1, W2, b2, Wfc, bfc):
    src = edge_index[0].reshape(_NW, _NCH, _CH)
    dst = edge_index[1].reshape(_NW, _NCH, _CH)
    xp = jnp.zeros((_NP, _D), x.dtype).at[:_N].set(x)

    parts = _deg_kernel(dst)
    y1, inv = _prep(parts, xp, W1)
    s1 = _agg_kernel(y1, src, dst)
    y2 = _mid(s1, y1, inv, b1.reshape(1, _H), W2)
    s2 = _agg_kernel(y2, src, dst)
    out = _fin(s2, y2, inv, b2.reshape(1, _H), Wfc, bfc.reshape(1, _O))
    return out[:_N]

# --- scband reference (transcript-rebuilt; emitter-appended) ---
"""Pipeline reference for scband-gcn-8770323219094 (READ-ONLY COPY).

The authoritative reference and input builder live on the scoring server;
editing this copy changes nothing except your own understanding.
"""

import jax, jax.numpy as jnp
import numpy as np

N = 10000
E = 320000
D = 128
H = 16
O = 2


def setup_inputs(seed: int = 0) -> dict:
    key = jax.random.key(seed)
    ks = jax.random.split(key, 8)
    x = jax.random.normal(ks[0], (N, D), dtype=jnp.float32)
    edge_index = jax.random.randint(ks[1], (2, E), 0, N, dtype=jnp.int32)
    W1 = jax.random.normal(ks[2], (D, H), dtype=jnp.float32) * (1.0 / np.sqrt(D))
    b1 = jnp.zeros((H,), dtype=jnp.float32)
    W2 = jax.random.normal(ks[3], (H, H), dtype=jnp.float32) * (1.0 / np.sqrt(H))
    b2 = jnp.zeros((H,), dtype=jnp.float32)
    Wfc = jax.random.normal(ks[4], (H, O), dtype=jnp.float32) * (1.0 / np.sqrt(H))
    bfc = jnp.zeros((O,), dtype=jnp.float32)
    return {"x": x, "edge_index": edge_index, "W1": W1, "b1": b1, "W2": W2, "b2": b2, "Wfc": Wfc, "bfc": bfc}


def _gcn_conv(x, W, b, src, dst, n):
    # PyG GCNConv: add self-loops, symmetric normalization D^{-1/2}(A+I)D^{-1/2}, then linear
    loop = jnp.arange(n, dtype=src.dtype)
    src2 = jnp.concatenate([src, loop])
    dst2 = jnp.concatenate([dst, loop])
    xw = x @ W
    deg = jax.ops.segment_sum(jnp.ones(src2.shape[0], dtype=xw.dtype), dst2, num_segments=n)
    inv_sqrt = jax.lax.rsqrt(jnp.maximum(deg, 1.0))
    coef = inv_sqrt[src2] * inv_sqrt[dst2]
    msg = xw[src2] * coef[:, None]
    agg = jax.ops.segment_sum(msg, dst2, num_segments=n)
    return agg + b


def reference(x, edge_index, W1, b1, W2, b2, Wfc, bfc):
    src = edge_index[0]
    dst = edge_index[1]
    n = x.shape[0]
    h = jax.nn.relu(_gcn_conv(x, W1, b1, src, dst, n))
    # F.dropout is identity in eval mode
    h = jax.nn.relu(_gcn_conv(h, W2, b2, src, dst, n))
    logits = h @ Wfc + bfc
    return jax.nn.log_softmax(logits, axis=1)

if __name__ == "__main__":
    import jax
    _d = setup_inputs()
    print(jax.jit(kernel)(*tuple(_d.values())))

</pallas_src>

<mosaic_0001>
#map = affine_map<(d0, d1) -> (0, 0)>
#map1 = affine_map<(d0, d1) -> (0, 0, 0)>
module attributes {stable_mosaic.version = 14 : i64} {
  func.func @_agg_kernel(%arg0: i32, %arg1: i32, %arg2: memref<10240x16xf32, #tpu.memory_space<hbm>>, %arg3: memref<32x125x80xi32, #tpu.memory_space<hbm>>, %arg4: memref<32x125x80xi32, #tpu.memory_space<hbm>>, %arg5: memref<2x10240x16xf32, #tpu.memory_space<hbm>>, %arg6: memref<125x80xi32, #tpu.memory_space<vmem>>, %arg7: memref<125x80xi32, #tpu.memory_space<vmem>>, %arg8: memref<80x16xf32, #tpu.memory_space<vmem>>, %arg9: memref<640x16xf32, #tpu.memory_space<vmem>>, %arg10: memref<10240x16xf32, #tpu.memory_space<vmem_shared>>, %arg11: memref<!tpu.dma_semaphore, #tpu.memory_space<semaphore_mem>>) attributes {dimension_semantics = [#tpu.dimension_semantics<core_parallel>, #tpu.dimension_semantics<subcore_parallel>], iteration_bounds = array<i64: 2, 16>, scalar_prefetch = 0 : i64, scratch_operands = 6 : i64, tpu.core_type = #tpu.core_type<sc_vector_subcore>, window_params = [{transform_indices = #map}, {transform_indices = #map1}, {transform_indices = #map1}, {transform_indices = #map1}]} {
    %mul3A = arith.constant 16 : i32
    %mul3A_0 = arith.muli %arg0, %mul3A : i32
    %add3A = arith.addi %mul3A_0, %arg1 : i32
    %broadcast_in_dim3A = arith.constant 0.000000e+00 : f32
    %broadcast_in_dim3A_1 = vector.broadcast %broadcast_in_dim3A : f32 to vector<16xf32>
    %scan3A = arith.constant 0 : i32
    %scan3A_2 = arith.constant 0 : i32
    %scan3A_3 = arith.constant 640 : i32
    %scan3A_4 = arith.addi %scan3A_2, %scan3A_3 : i32
    %scan3A_5 = arith.constant 1 : i32
    scf.for %scan3A_20 = %scan3A_2 to %scan3A_4 step %scan3A_5  : i32 {
      %swap3A = arith.index_cast %scan3A_20 : i32 to index
      %swap3A_21 = arith.constant 0 : index
      %swap3A_22 = tpu.vector_load %arg9[%swap3A, %swap3A_21] {strides = array<i32>} : memref<640x16xf32, #tpu.memory_space<vmem>>, vector<1x16xf32>,
      %swap3A_23 = vector.shape_cast %swap3A_22 : vector<1x16xf32> to vector<16xf32>
      %swap3A_24 = vector.shape_cast %broadcast_in_dim3A_1 : vector<16xf32> to vector<1x16xf32>
      tpu.vector_store %arg9[%swap3A, %swap3A_21], %swap3A_24 {strides = array<i32>} : memref<640x16xf32, #tpu.memory_space<vmem>>, vector<1x16xf32>,
    }
    %scan3A_6 = arith.constant 640 : i32
    %mul3A_7 = arith.constant 640 : i32
    %mul3A_8 = arith.muli %arg1, %mul3A_7 : i32
    "tpu.region"() ({
      %run_scoped3A = tpu.sem_alloc : memref<!tpu.dma_semaphore, #tpu.memory_space<semaphore_mem>>
      %dma_start3A = arith.constant 0 : i32
      %dma_start3A_20 = tpu.memref_slice %arg10[%mul3A_8, %dma_start3A] : memref<10240x16xf32, #tpu.memory_space<vmem_shared>> -> memref<640x16xf32, #tpu.memory_space<vmem_shared>>
      %dma_start3A_21 = arith.constant 0 : i32
      %dma_start3A_22 = tpu.memref_slice %arg10[%mul3A_8, %dma_start3A_21] : memref<10240x16xf32, #tpu.memory_space<vmem_shared>> -> memref<640x16xf32, #tpu.memory_space<vmem_shared>>
      tpu.enqueue_dma source(%arg9 : memref<640x16xf32, #tpu.memory_space<vmem>>) target(%dma_start3A_22 : memref<640x16xf32, #tpu.memory_space<vmem_shared>>) target_semaphore(%run_scoped3A : memref<!tpu.dma_semaphore, #tpu.memory_space<semaphore_mem>>)
      %dma_wait3A = arith.constant 0 : i32
      %dma_wait3A_23 = tpu.memref_slice %arg10[%mul3A_8, %dma_wait3A] : memref<10240x16xf32, #tpu.memory_space<vmem_shared>> -> memref<640x16xf32, #tpu.memory_space<vmem_shared>>
      %dma_wait3A_24 = arith.constant 0 : i32
      %dma_wait3A_25 = tpu.memref_slice %arg10[%mul3A_8, %dma_wait3A_24] : memref<10240x16xf32, #tpu.memory_space<vmem_shared>> -> memref<640x16xf32, #tpu.memory_space<vmem_shared>>
      tpu.wait_dma2 semaphore(%run_scoped3A : memref<!tpu.dma_semaphore, #tpu.memory_space<semaphore_mem>>) src(%arg9 : memref<640x16xf32, #tpu.memory_space<vmem>>) dst(%dma_wait3A_25 : memref<640x16xf32, #tpu.memory_space<vmem_shared>>)
      tpu.yield
    }) : () -> ()
    "tpu.region"() ({
      %run_scoped3A = tpu.sem_alloc : memref<!tpu.dma_semaphore, #tpu.memory_space<semaphore_mem>>
      %dma_start3A = arith.constant 0 : i32
      %dma_start3A_20 = arith.constant 0 : i32
      %dma_start3A_21 = tpu.memref_slice %arg3[%add3A, %dma_start3A, %dma_start3A_20] : memref<32x125x80xi32, #tpu.memory_space<hbm>> -> memref<1x125x80xi32, #tpu.memory_space<hbm>>
      %dma_start3A_22 = tpu.memref_squeeze %dma_start3A_21 : memref<1x125x80xi32, #tpu.memory_space<hbm>> -> memref<125x80xi32, #tpu.memory_space<hbm>>
      %dma_start3A_23 = arith.constant 0 : i32
      %dma_start3A_24 = arith.constant 0 : i32
      %dma_start3A_25 = tpu.memref_slice %arg3[%add3A, %dma_start3A_23, %dma_start3A_24] : memref<32x125x80xi32, #tpu.memory_space<hbm>> -> memref<1x125x80xi32, #tpu.memory_space<hbm>>
      %dma_start3A_26 = tpu.memref_squeeze %dma_start3A_25 : memref<1x125x80xi32, #tpu.memory_space<hbm>> -> memref<125x80xi32, #tpu.memory_space<hbm>>
      tpu.enqueue_dma source(%dma_start3A_26 : memref<125x80xi32, #tpu.memory_space<hbm>>) target(%arg6 : memref<125x80xi32, #tpu.memory_space<vmem>>) target_semaphore(%run_scoped3A : memref<!tpu.dma_semaphore, #tpu.memory_space<semaphore_mem>>)
      %dma_wait3A = arith.constant 0 : i32
      %dma_wait3A_27 = arith.constant 0 : i32
      %dma_wait3A_28 = tpu.memref_slice %arg3[%add3A, %dma_wait3A, %dma_wait3A_27] : memref<32x125x80xi32, #tpu.memory_space<hbm>> -> memref<1x125x80xi32, #tpu.memory_space<hbm>>
      %dma_wait3A_29 = tpu.memref_squeeze %dma_wait3A_28 : memref<1x125x80xi32, #tpu.memory_space<hbm>> -> memref<125x80xi32, #tpu.memory_space<hbm>>
      %dma_wait3A_30 = arith.constant 0 : i32
      %dma_wait3A_31 = arith.constant 0 : i32
      %dma_wait3A_32 = tpu.memref_slice %arg3[%add3A, %dma_wait3A_30, %dma_wait3A_31] : memref<32x125x80xi32, #tpu.memory_space<hbm>> -> memref<1x125x80xi32, #tpu.memory_space<hbm>>
      %dma_wait3A_33 = tpu.memref_squeeze %dma_wait3A_32 : memref<1x125x80xi32, #tpu.memory_space<hbm>> -> memref<125x80xi32, #tpu.memory_space<hbm>>
      tpu.wait_dma2 semaphore(%run_scoped3A : memref<!tpu.dma_semaphore, #tpu.memory_space<semaphore_mem>>) src(%dma_wait3A_33 : memref<125x80xi32, #tpu.memory_space<hbm>>) dst(%arg6 : memref<125x80xi32, #tpu.memory_space<vmem>>)
      tpu.yield
    }) : () -> ()
    "tpu.region"() ({
      %run_scoped3A = tpu.sem_alloc : memref<!tpu.dma_semaphore, #tpu.memory_space<semaphore_mem>>
      %dma_start3A = arith.constant 0 : i32
      %dma_start3A_20 = arith.constant 0 : i32
      %dma_start3A_21 = tpu.memref_slice %arg4[%add3A, %dma_start3A, %dma_start3A_20] : memref<32x125x80xi32, #tpu.memory_space<hbm>> -> memref<1x125x80xi32, #tpu.memory_space<hbm>>
      %dma_start3A_22 = tpu.memref_squeeze %dma_start3A_21 : memref<1x125x80xi32, #tpu.memory_space<hbm>> -> memref<125x80xi32, #tpu.memory_space<hbm>>
      %dma_start3A_23 = arith.constant 0 : i32
      %dma_start3A_24 = arith.constant 0 : i32
      %dma_start3A_25 = tpu.memref_slice %arg4[%add3A, %dma_start3A_23, %dma_start3A_24] : memref<32x125x80xi32, #tpu.memory_space<hbm>> -> memref<1x125x80xi32, #tpu.memory_space<hbm>>
      %dma_start3A_26 = tpu.memref_squeeze %dma_start3A_25 : memref<1x125x80xi32, #tpu.memory_space<hbm>> -> memref<125x80xi32, #tpu.memory_space<hbm>>
      tpu.enqueue_dma source(%dma_start3A_26 : memref<125x80xi32, #tpu.memory_space<hbm>>) target(%arg7 : memref<125x80xi32, #tpu.memory_space<vmem>>) target_semaphore(%run_scoped3A : memref<!tpu.dma_semaphore, #tpu.memory_space<semaphore_mem>>)
      %dma_wait3A = arith.constant 0 : i32
      %dma_wait3A_27 = arith.constant 0 : i32
      %dma_wait3A_28 = tpu.memref_slice %arg4[%add3A, %dma_wait3A, %dma_wait3A_27] : memref<32x125x80xi32, #tpu.memory_space<hbm>> -> memref<1x125x80xi32, #tpu.memory_space<hbm>>
      %dma_wait3A_29 = tpu.memref_squeeze %dma_wait3A_28 : memref<1x125x80xi32, #tpu.memory_space<hbm>> -> memref<125x80xi32, #tpu.memory_space<hbm>>
      %dma_wait3A_30 = arith.constant 0 : i32
      %dma_wait3A_31 = arith.constant 0 : i32
      %dma_wait3A_32 = tpu.memref_slice %arg4[%add3A, %dma_wait3A_30, %dma_wait3A_31] : memref<32x125x80xi32, #tpu.memory_space<hbm>> -> memref<1x125x80xi32, #tpu.memory_space<hbm>>
      %dma_wait3A_33 = tpu.memref_squeeze %dma_wait3A_32 : memref<1x125x80xi32, #tpu.memory_space<hbm>> -> memref<125x80xi32, #tpu.memory_space<hbm>>
      tpu.wait_dma2 semaphore(%run_scoped3A : memref<!tpu.dma_semaphore, #tpu.memory_space<semaphore_mem>>) src(%dma_wait3A_33 : memref<125x80xi32, #tpu.memory_space<hbm>>) dst(%arg7 : memref<125x80xi32, #tpu.memory_space<vmem>>)
      tpu.yield
    }) : () -> ()
    %barrier3A = arith.constant 0 : index
    tpu.barrier barrier_id(%barrier3A)
    %scan3A_9 = arith.constant 0 : i32
    %scan3A_10 = arith.constant 0 : i32
    %scan3A_11 = arith.constant 125 : i32
    %scan3A_12 = arith.addi %scan3A_10, %scan3A_11 : i32
    %scan3A_13 = arith.constant 1 : i32
    scf.for %scan3A_20 = %scan3A_10 to %scan3A_12 step %scan3A_13  : i32 {
      %dma_start3A = arith.constant 0 : i32
      %dma_start3A_21 = tpu.memref_slice %arg6[%scan3A_20, %dma_start3A] : memref<125x80xi32, #tpu.memory_space<vmem>> -> memref<1x80xi32, #tpu.memory_space<vmem>>
      %dma_start3A_22 = tpu.memref_squeeze %dma_start3A_21 : memref<1x80xi32, #tpu.memory_space<vmem>> -> memref<80xi32, #tpu.memory_space<vmem>>
      %dma_start3A_23 = arith.constant 0 : i32
      %dma_start3A_24 = arith.constant 0 : i32
      %dma_start3A_25 = tpu.memref_slice %arg2[%dma_start3A_23, %dma_start3A_24] : memref<10240x16xf32, #tpu.memory_space<hbm>> -> memref<10240x16xf32, #tpu.memory_space<hbm>>
      tpu.enqueue_indirect_dma source(%dma_start3A_25 : memref<10240x16xf32, #tpu.memory_space<hbm>>) target(%arg8 : memref<80x16xf32, #tpu.memory_space<vmem>>) offsets(%dma_start3A_22 : memref<80xi32, #tpu.memory_space<vmem>>) semaphore(%arg11 : memref<!tpu.dma_semaphore, #tpu.memory_space<semaphore_mem>>)
      %dma_wait3A = arith.constant 0 : i32
      %dma_wait3A_26 = tpu.memref_slice %arg6[%scan3A_20, %dma_wait3A] : memref<125x80xi32, #tpu.memory_space<vmem>> -> memref<1x80xi32, #tpu.memory_space<vmem>>
      %dma_wait3A_27 = tpu.memref_squeeze %dma_wait3A_26 : memref<1x80xi32, #tpu.memory_space<vmem>> -> memref<80xi32, #tpu.memory_space<vmem>>
      %dma_wait3A_28 = arith.constant 0 : i32
      %dma_wait3A_29 = arith.constant 0 : i32
      %dma_wait3A_30 = tpu.memref_slice %arg2[%dma_wait3A_28, %dma_wait3A_29] : memref<10240x16xf32, #tpu.memory_space<hbm>> -> memref<10240x16xf32, #tpu.memory_space<hbm>>
      tpu.wait_indirect_dma semaphore(%arg11 : memref<!tpu.dma_semaphore, #tpu.memory_space<semaphore_mem>>) src(%dma_wait3A_30 : memref<10240x16xf32, #tpu.memory_space<hbm>>) dst(%arg8 : memref<80x16xf32, #tpu.memory_space<vmem>>)
      "tpu.region"() ({
        %run_scoped3A = tpu.sem_alloc : memref<!tpu.dma_semaphore, #tpu.memory_space<semaphore_mem>>
        %dma_start3A_31 = arith.constant 0 : i32
        %dma_start3A_32 = tpu.memref_slice %arg7[%scan3A_20, %dma_start3A_31] : memref<125x80xi32, #tpu.memory_space<vmem>> -> memref<1x80xi32, #tpu.memory_space<vmem>>
        %dma_start3A_33 = tpu.memref_squeeze %dma_start3A_32 : memref<1x80xi32, #tpu.memory_space<vmem>> -> memref<80xi32, #tpu.memory_space<vmem>>
        %dma_start3A_34 = arith.constant 0 : i32
        %dma_start3A_35 = arith.constant 0 : i32
        %dma_start3A_36 = tpu.memref_slice %arg10[%dma_start3A_34, %dma_start3A_35] : memref<10240x16xf32, #tpu.memory_space<vmem_shared>> -> memref<10240x16xf32, #tpu.memory_space<vmem_shared>>
        tpu.enqueue_indirect_dma source(%arg8 : memref<80x16xf32, #tpu.memory_space<vmem>>) target(%dma_start3A_36 : memref<10240x16xf32, #tpu.memory_space<vmem_shared>>) offsets(%dma_start3A_33 : memref<80xi32, #tpu.memory_space<vmem>>) semaphore(%run_scoped3A : memref<!tpu.dma_semaphore, #tpu.memory_space<semaphore_mem>>) {add = true}
        %dma_wait3A_37 = arith.constant 0 : i32
        %dma_wait3A_38 = tpu.memref_slice %arg7[%scan3A_20, %dma_wait3A_37] : memref<125x80xi32, #tpu.memory_space<vmem>> -> memref<1x80xi32, #tpu.memory_space<vmem>>
        %dma_wait3A_39 = tpu.memref_squeeze %dma_wait3A_38 : memref<1x80xi32, #tpu.memory_space<vmem>> -> memref<80xi32, #tpu.memory_space<vmem>>
        %dma_wait3A_40 = arith.constant 0 : i32
        %dma_wait3A_41 = arith.constant 0 : i32
        %dma_wait3A_42 = tpu.memref_slice %arg10[%dma_wait3A_40, %dma_wait3A_41] : memref<10240x16xf32, #tpu.memory_space<vmem_shared>> -> memref<10240x16xf32, #tpu.memory_space<vmem_shared>>
        tpu.wait_indirect_dma semaphore(%run_scoped3A : memref<!tpu.dma_semaphore, #tpu.memory_space<semaphore_mem>>) src(%arg8 : memref<80x16xf32, #tpu.memory_space<vmem>>) dst(%dma_wait3A_42 : memref<10240x16xf32, #tpu.memory_space<vmem_shared>>)
        tpu.yield
      }) : () -> ()
    }
    %scan3A_14 = arith.constant 125 : i32
    %barrier3A_15 = arith.constant 0 : index
    tpu.barrier barrier_id(%barrier3A_15)
    %mul3A_16 = arith.constant 640 : i32
    %mul3A_17 = arith.muli %arg1, %mul3A_16 : i32
    %mul3A_18 = arith.constant 640 : i32
    %mul3A_19 = arith.muli %arg1, %mul3A_18 : i32
    "tpu.region"() ({
      %run_scoped3A = tpu.sem_alloc : memref<!tpu.dma_semaphore, #tpu.memory_space<semaphore_mem>>
      %dma_start3A = arith.constant 0 : i32
      %dma_start3A_20 = tpu.memref_slice %arg5[%arg0, %mul3A_19, %dma_start3A] : memref<2x10240x16xf32, #tpu.memory_space<hbm>> -> memref<1x640x16xf32, #tpu.memory_space<hbm>>
      %dma_start3A_21 = tpu.memref_squeeze %dma_start3A_20 : memref<1x640x16xf32, #tpu.memory_space<hbm>> -> memref<640x16xf32, #tpu.memory_space<hbm>>
      %dma_start3A_22 = arith.constant 0 : i32
      %dma_start3A_23 = tpu.memref_slice %arg10[%mul3A_17, %dma_start3A_22] : memref<10240x16xf32, #tpu.memory_space<vmem_shared>> -> memref<640x16xf32, #tpu.memory_space<vmem_shared>>
      tpu.enqueue_dma source(%dma_start3A_23 : memref<640x16xf32, #tpu.memory_space<vmem_shared>>) target(%dma_start3A_21 : memref<640x16xf32, #tpu.memory_space<hbm>>) target_semaphore(%run_scoped3A : memref<!tpu.dma_semaphore, #tpu.memory_space<semaphore_mem>>)
      %dma_wait3A = arith.constant 0 : i32
      %dma_wait3A_24 = tpu.memref_slice %arg5[%arg0, %mul3A_19, %dma_wait3A] : memref<2x10240x16xf32, #tpu.memory_space<hbm>> -> memref<1x640x16xf32, #tpu.memory_space<hbm>>
      %dma_wait3A_25 = tpu.memref_squeeze %dma_wait3A_24 : memref<1x640x16xf32, #tpu.memory_space<hbm>> -> memref<640x16xf32, #tpu.memory_space<hbm>>
      %dma_wait3A_26 = arith.constant 0 : i32
      %dma_wait3A_27 = tpu.memref_slice %arg10[%mul3A_17, %dma_wait3A_26] : memref<10240x16xf32, #tpu.memory_space<vmem_shared>> -> memref<640x16xf32, #tpu.memory_space<vmem_shared>>
      tpu.wait_dma2 semaphore(%run_scoped3A : memref<!tpu.dma_semaphore, #tpu.memory_space<semaphore_mem>>) src(%dma_wait3A_27 : memref<640x16xf32, #tpu.memory_space<vmem_shared>>) dst(%dma_wait3A_25 : memref<640x16xf32, #tpu.memory_space<hbm>>)
      tpu.yield
    }) : () -> ()
    return
  }
}

#map = affine_map<(d0, d1) -> (0, 0, 0)>
module attributes {stable_mosaic.version = 14 : i64} {
  func.func @_deg_kernel(%arg0: i32, %arg1: i32, %arg2: memref<32x125x80xi32, #tpu.memory_space<hbm>>, %arg3: memref<2x10240x16xf32, #tpu.memory_space<hbm>>, %arg4: memref<125x80xi32, #tpu.memory_space<vmem>>, %arg5: memref<80x16xf32, #tpu.memory_space<vmem>>, %arg6: memref<640x16xf32, #tpu.memory_space<vmem>>, %arg7: memref<10240x16xf32, #tpu.memory_space<vmem_shared>>) attributes {dimension_semantics = [#tpu.dimension_semantics<core_parallel>, #tpu.dimension_semantics<subcore_parallel>], iteration_bounds = array<i64: 2, 16>, scalar_prefetch = 0 : i64, scratch_operands = 4 : i64, tpu.core_type = #tpu.core_type<sc_vector_subcore>, window_params = [{transform_indices = #map}, {transform_indices = #map}]} {
    %mul3A = arith.constant 16 : i32
    %mul3A_0 = arith.muli %arg0, %mul3A : i32
    %add3A = arith.addi %mul3A_0, %arg1 : i32
    %broadcast_in_dim3A = arith.constant 0.000000e+00 : f32
    %broadcast_in_dim3A_1 = vector.broadcast %broadcast_in_dim3A : f32 to vector<16xf32>
    %broadcast_in_dim3A_2 = arith.constant 1.000000e+00 : f32
    %broadcast_in_dim3A_3 = vector.broadcast %broadcast_in_dim3A_2 : f32 to vector<16xf32>
    %scan3A = arith.constant 0 : i32
    %scan3A_4 = arith.constant 0 : i32
    %scan3A_5 = arith.constant 640 : i32
    %scan3A_6 = arith.addi %scan3A_4, %scan3A_5 : i32
    %scan3A_7 = arith.constant 1 : i32
    scf.for %scan3A_28 = %scan3A_4 to %scan3A_6 step %scan3A_7  : i32 {
      %swap3A = arith.index_cast %scan3A_28 : i32 to index
      %swap3A_29 = arith.constant 0 : index
      %swap3A_30 = tpu.vector_load %arg6[%swap3A, %swap3A_29] {strides = array<i32>} : memref<640x16xf32, #tpu.memory_space<vmem>>, vector<1x16xf32>,
      %swap3A_31 = vector.shape_cast %swap3A_30 : vector<1x16xf32> to vector<16xf32>
      %swap3A_32 = vector.shape_cast %broadcast_in_dim3A_1 : vector<16xf32> to vector<1x16xf32>
      tpu.vector_store %arg6[%swap3A, %swap3A_29], %swap3A_32 {strides = array<i32>} : memref<640x16xf32, #tpu.memory_space<vmem>>, vector<1x16xf32>,
    }
    %scan3A_8 = arith.constant 640 : i32
    %scan3A_9 = arith.constant 0 : i32
    %scan3A_10 = arith.constant 0 : i32
    %scan3A_11 = arith.constant 80 : i32
    %scan3A_12 = arith.addi %scan3A_10, %scan3A_11 : i32
    %scan3A_13 = arith.constant 1 : i32
    scf.for %scan3A_28 = %scan3A_10 to %scan3A_12 step %scan3A_13  : i32 {
      %swap3A = arith.index_cast %scan3A_28 : i32 to index
      %swap3A_29 = arith.constant 0 : index
      %swap3A_30 = tpu.vector_load %arg5[%swap3A, %swap3A_29] {strides = array<i32>} : memref<80x16xf32, #tpu.memory_space<vmem>>, vector<1x16xf32>,
      %swap3A_31 = vector.shape_cast %swap3A_30 : vector<1x16xf32> to vector<16xf32>
      %swap3A_32 = vector.shape_cast %broadcast_in_dim3A_3 : vector<16xf32> to vector<1x16xf32>
      tpu.vector_store %arg5[%swap3A, %swap3A_29], %swap3A_32 {strides = array<i32>} : memref<80x16xf32, #tpu.memory_space<vmem>>, vector<1x16xf32>,
    }
    %scan3A_14 = arith.constant 80 : i32
    %mul3A_15 = arith.constant 640 : i32
    %mul3A_16 = arith.muli %arg1, %mul3A_15 : i32
    "tpu.region"() ({
      %run_scoped3A = tpu.sem_alloc : memref<!tpu.dma_semaphore, #tpu.memory_space<semaphore_mem>>
      %dma_start3A = arith.constant 0 : i32
      %dma_start3A_28 = tpu.memref_slice %arg7[%mul3A_16, %dma_start3A] : memref<10240x16xf32, #tpu.memory_space<vmem_shared>> -> memref<640x16xf32, #tpu.memory_space<vmem_shared>>
      %dma_start3A_29 = arith.constant 0 : i32
      %dma_start3A_30 = tpu.memref_slice %arg7[%mul3A_16, %dma_start3A_29] : memref<10240x16xf32, #tpu.memory_space<vmem_shared>> -> memref<640x16xf32, #tpu.memory_space<vmem_shared>>
      tpu.enqueue_dma source(%arg6 : memref<640x16xf32, #tpu.memory_space<vmem>>) target(%dma_start3A_30 : memref<640x16xf32, #tpu.memory_space<vmem_shared>>) target_semaphore(%run_scoped3A : memref<!tpu.dma_semaphore, #tpu.memory_space<semaphore_mem>>)
      %dma_wait3A = arith.constant 0 : i32
      %dma_wait3A_31 = tpu.memref_slice %arg7[%mul3A_16, %dma_wait3A] : memref<10240x16xf32, #tpu.memory_space<vmem_shared>> -> memref<640x16xf32, #tpu.memory_space<vmem_shared>>
      %dma_wait3A_32 = arith.constant 0 : i32
      %dma_wait3A_33 = tpu.memref_slice %arg7[%mul3A_16, %dma_wait3A_32] : memref<10240x16xf32, #tpu.memory_space<vmem_shared>> -> memref<640x16xf32, #tpu.memory_space<vmem_shared>>
      tpu.wait_dma2 semaphore(%run_scoped3A : memref<!tpu.dma_semaphore, #tpu.memory_space<semaphore_mem>>) src(%arg6 : memref<640x16xf32, #tpu.memory_space<vmem>>) dst(%dma_wait3A_33 : memref<640x16xf32, #tpu.memory_space<vmem_shared>>)
      tpu.yield
    }) : () -> ()
    "tpu.region"() ({
      %run_scoped3A = tpu.sem_alloc : memref<!tpu.dma_semaphore, #tpu.memory_space<semaphore_mem>>
      %dma_start3A = arith.constant 0 : i32
      %dma_start3A_28 = arith.constant 0 : i32
      %dma_start3A_29 = tpu.memref_slice %arg2[%add3A, %dma_start3A, %dma_start3A_28] : memref<32x125x80xi32, #tpu.memory_space<hbm>> -> memref<1x125x80xi32, #tpu.memory_space<hbm>>
      %dma_start3A_30 = tpu.memref_squeeze %dma_start3A_29 : memref<1x125x80xi32, #tpu.memory_space<hbm>> -> memref<125x80xi32, #tpu.memory_space<hbm>>
      %dma_start3A_31 = arith.constant 0 : i32
      %dma_start3A_32 = arith.constant 0 : i32
      %dma_start3A_33 = tpu.memref_slice %arg2[%add3A, %dma_start3A_31, %dma_start3A_32] : memref<32x125x80xi32, #tpu.memory_space<hbm>> -> memref<1x125x80xi32, #tpu.memory_space<hbm>>
      %dma_start3A_34 = tpu.memref_squeeze %dma_start3A_33 : memref<1x125x80xi32, #tpu.memory_space<hbm>> -> memref<125x80xi32, #tpu.memory_space<hbm>>
      tpu.enqueue_dma source(%dma_start3A_34 : memref<125x80xi32, #tpu.memory_space<hbm>>) target(%arg4 : memref<125x80xi32, #tpu.memory_space<vmem>>) target_semaphore(%run_scoped3A : memref<!tpu.dma_semaphore, #tpu.memory_space<semaphore_mem>>)
      %dma_wait3A = arith.constant 0 : i32
      %dma_wait3A_35 = arith.constant 0 : i32
      %dma_wait3A_36 = tpu.memref_slice %arg2[%add3A, %dma_wait3A, %dma_wait3A_35] : memref<32x125x80xi32, #tpu.memory_space<hbm>> -> memref<1x125x80xi32, #tpu.memory_space<hbm>>
      %dma_wait3A_37 = tpu.memref_squeeze %dma_wait3A_36 : memref<1x125x80xi32, #tpu.memory_space<hbm>> -> memref<125x80xi32, #tpu.memory_space<hbm>>
      %dma_wait3A_38 = arith.constant 0 : i32
      %dma_wait3A_39 = arith.constant 0 : i32
      %dma_wait3A_40 = tpu.memref_slice %arg2[%add3A, %dma_wait3A_38, %dma_wait3A_39] : memref<32x125x80xi32, #tpu.memory_space<hbm>> -> memref<1x125x80xi32, #tpu.memory_space<hbm>>
      %dma_wait3A_41 = tpu.memref_squeeze %dma_wait3A_40 : memref<1x125x80xi32, #tpu.memory_space<hbm>> -> memref<125x80xi32, #tpu.memory_space<hbm>>
      tpu.wait_dma2 semaphore(%run_scoped3A : memref<!tpu.dma_semaphore, #tpu.memory_space<semaphore_mem>>) src(%dma_wait3A_41 : memref<125x80xi32, #tpu.memory_space<hbm>>) dst(%arg4 : memref<125x80xi32, #tpu.memory_space<vmem>>)
      tpu.yield
    }) : () -> ()
    %barrier3A = arith.constant 0 : index
    tpu.barrier barrier_id(%barrier3A)
    %scan3A_17 = arith.constant 0 : i32
    %scan3A_18 = arith.constant 0 : i32
    %scan3A_19 = arith.constant 125 : i32
    %scan3A_20 = arith.addi %scan3A_18, %scan3A_19 : i32
    %scan3A_21 = arith.constant 1 : i32
    scf.for %scan3A_28 = %scan3A_18 to %scan3A_20 step %scan3A_21  : i32 {
      "tpu.region"() ({
        %run_scoped3A = tpu.sem_alloc : memref<!tpu.dma_semaphore, #tpu.memory_space<semaphore_mem>>
        %dma_start3A = arith.constant 0 : i32
        %dma_start3A_29 = tpu.memref_slice %arg4[%scan3A_28, %dma_start3A] : memref<125x80xi32, #tpu.memory_space<vmem>> -> memref<1x80xi32, #tpu.memory_space<vmem>>
        %dma_start3A_30 = tpu.memref_squeeze %dma_start3A_29 : memref<1x80xi32, #tpu.memory_space<vmem>> -> memref<80xi32, #tpu.memory_space<vmem>>
        %dma_start3A_31 = arith.constant 0 : i32
        %dma_start3A_32 = arith.constant 0 : i32
        %dma_start3A_33 = tpu.memref_slice %arg7[%dma_start3A_31, %dma_start3A_32] : memref<10240x16xf32, #tpu.memory_space<vmem_shared>> -> memref<10240x16xf32, #tpu.memory_space<vmem_shared>>
        tpu.enqueue_indirect_dma source(%arg5 : memref<80x16xf32, #tpu.memory_space<vmem>>) target(%dma_start3A_33 : memref<10240x16xf32, #tpu.memory_space<vmem_shared>>) offsets(%dma_start3A_30 : memref<80xi32, #tpu.memory_space<vmem>>) semaphore(%run_scoped3A : memref<!tpu.dma_semaphore, #tpu.memory_space<semaphore_mem>>) {add = true}
        %dma_wait3A = arith.constant 0 : i32
        %dma_wait3A_34 = tpu.memref_slice %arg4[%scan3A_28, %dma_wait3A] : memref<125x80xi32, #tpu.memory_space<vmem>> -> memref<1x80xi32, #tpu.memory_space<vmem>>
        %dma_wait3A_35 = tpu.memref_squeeze %dma_wait3A_34 : memref<1x80xi32, #tpu.memory_space<vmem>> -> memref<80xi32, #tpu.memory_space<vmem>>
        %dma_wait3A_36 = arith.constant 0 : i32
        %dma_wait3A_37 = arith.constant 0 : i32
        %dma_wait3A_38 = tpu.memref_slice %arg7[%dma_wait3A_36, %dma_wait3A_37] : memref<10240x16xf32, #tpu.memory_space<vmem_shared>> -> memref<10240x16xf32, #tpu.memory_space<vmem_shared>>
        tpu.wait_indirect_dma semaphore(%run_scoped3A : memref<!tpu.dma_semaphore, #tpu.memory_space<semaphore_mem>>) src(%arg5 : memref<80x16xf32, #tpu.memory_space<vmem>>) dst(%dma_wait3A_38 : memref<10240x16xf32, #tpu.memory_space<vmem_shared>>)
        tpu.yield
      }) : () -> ()
    }
    %scan3A_22 = arith.constant 125 : i32
    %barrier3A_23 = arith.constant 0 : index
    tpu.barrier barrier_id(%barrier3A_23)
    %mul3A_24 = arith.constant 640 : i32
    %mul3A_25 = arith.muli %arg1, %mul3A_24 : i32
    %mul3A_26 = arith.constant 640 : i32
    %mul3A_27 = arith.muli %arg1, %mul3A_26 : i32
    "tpu.region"() ({
      %run_scoped3A = tpu.sem_alloc : memref<!tpu.dma_semaphore, #tpu.memory_space<semaphore_mem>>
      %dma_start3A = arith.constant 0 : i32
      %dma_start3A_28 = tpu.memref_slice %arg3[%arg0, %mul3A_27, %dma_start3A] : memref<2x10240x16xf32, #tpu.memory_space<hbm>> -> memref<1x640x16xf32, #tpu.memory_space<hbm>>
      %dma_start3A_29 = tpu.memref_squeeze %dma_start3A_28 : memref<1x640x16xf32, #tpu.memory_space<hbm>> -> memref<640x16xf32, #tpu.memory_space<hbm>>
      %dma_start3A_30 = arith.constant 0 : i32
      %dma_start3A_31 = tpu.memref_slice %arg7[%mul3A_25, %dma_start3A_30] : memref<10240x16xf32, #tpu.memory_space<vmem_shared>> -> memref<640x16xf32, #tpu.memory_space<vmem_shared>>
      tpu.enqueue_dma source(%dma_start3A_31 : memref<640x16xf32, #tpu.memory_space<vmem_shared>>) target(%dma_start3A_29 : memref<640x16xf32, #tpu.memory_space<hbm>>) target_semaphore(%run_scoped3A : memref<!tpu.dma_semaphore, #tpu.memory_space<semaphore_mem>>)
      %dma_wait3A = arith.constant 0 : i32
      %dma_wait3A_32 = tpu.memref_slice %arg3[%arg0, %mul3A_27, %dma_wait3A] : memref<2x10240x16xf32, #tpu.memory_space<hbm>> -> memref<1x640x16xf32, #tpu.memory_space<hbm>>
      %dma_wait3A_33 = tpu.memref_squeeze %dma_wait3A_32 : memref<1x640x16xf32, #tpu.memory_space<hbm>> -> memref<640x16xf32, #tpu.memory_space<hbm>>
      %dma_wait3A_34 = arith.constant 0 : i32
      %dma_wait3A_35 = tpu.memref_slice %arg7[%mul3A_25, %dma_wait3A_34] : memref<10240x16xf32, #tpu.memory_space<vmem_shared>> -> memref<640x16xf32, #tpu.memory_space<vmem_shared>>
      tpu.wait_dma2 semaphore(%run_scoped3A : memref<!tpu.dma_semaphore, #tpu.memory_space<semaphore_mem>>) src(%dma_wait3A_35 : memref<640x16xf32, #tpu.memory_space<vmem_shared>>) dst(%dma_wait3A_33 : memref<640x16xf32, #tpu.memory_space<hbm>>)
      tpu.yield
    }) : () -> ()
    return
  }
}

#map = affine_map<(d0, d1) -> (0, 0)>
#map1 = affine_map<(d0, d1) -> (0, 0, 0)>
module attributes {stable_mosaic.version = 14 : i64} {
  func.func @_agg_kernel(%arg0: i32, %arg1: i32, %arg2: memref<10240x16xf32, #tpu.memory_space<hbm>>, %arg3: memref<32x125x80xi32, #tpu.memory_space<hbm>>, %arg4: memref<32x125x80xi32, #tpu.memory_space<hbm>>, %arg5: memref<2x10240x16xf32, #tpu.memory_space<hbm>>, %arg6: memref<125x80xi32, #tpu.memory_space<vmem>>, %arg7: memref<125x80xi32, #tpu.memory_space<vmem>>, %arg8: memref<80x16xf32, #tpu.memory_space<vmem>>, %arg9: memref<640x16xf32, #tpu.memory_space<vmem>>, %arg10: memref<10240x16xf32, #tpu.memory_space<vmem_shared>>, %arg11: memref<!tpu.dma_semaphore, #tpu.memory_space<semaphore_mem>>) attributes {dimension_semantics = [#tpu.dimension_semantics<core_parallel>, #tpu.dimension_semantics<subcore_parallel>], iteration_bounds = array<i64: 2, 16>, scalar_prefetch = 0 : i64, scratch_operands = 6 : i64, tpu.core_type = #tpu.core_type<sc_vector_subcore>, window_params = [{transform_indices = #map}, {transform_indices = #map1}, {transform_indices = #map1}, {transform_indices = #map1}]} {
    %mul3A = arith.constant 16 : i32
    %mul3A_0 = arith.muli %arg0, %mul3A : i32
    %add3A = arith.addi %mul3A_0, %arg1 : i32
    %broadcast_in_dim3A = arith.constant 0.000000e+00 : f32
    %broadcast_in_dim3A_1 = vector.broadcast %broadcast_in_dim3A : f32 to vector<16xf32>
    %scan3A = arith.constant 0 : i32
    %scan3A_2 = arith.constant 0 : i32
    %scan3A_3 = arith.constant 640 : i32
    %scan3A_4 = arith.addi %scan3A_2, %scan3A_3 : i32
    %scan3A_5 = arith.constant 1 : i32
    scf.for %scan3A_20 = %scan3A_2 to %scan3A_4 step %scan3A_5  : i32 {
      %swap3A = arith.index_cast %scan3A_20 : i32 to index
      %swap3A_21 = arith.constant 0 : index
      %swap3A_22 = tpu.vector_load %arg9[%swap3A, %swap3A_21] {strides = array<i32>} : memref<640x16xf32, #tpu.memory_space<vmem>>, vector<1x16xf32>,
      %swap3A_23 = vector.shape_cast %swap3A_22 : vector<1x16xf32> to vector<16xf32>
      %swap3A_24 = vector.shape_cast %broadcast_in_dim3A_1 : vector<16xf32> to vector<1x16xf32>
      tpu.vector_store %arg9[%swap3A, %swap3A_21], %swap3A_24 {strides = array<i32>} : memref<640x16xf32, #tpu.memory_space<vmem>>, vector<1x16xf32>,
    }
    %scan3A_6 = arith.constant 640 : i32
    %mul3A_7 = arith.constant 640 : i32
    %mul3A_8 = arith.muli %arg1, %mul3A_7 : i32
    "tpu.region"() ({
      %run_scoped3A = tpu.sem_alloc : memref<!tpu.dma_semaphore, #tpu.memory_space<semaphore_mem>>
      %dma_start3A = arith.constant 0 : i32
      %dma_start3A_20 = tpu.memref_slice %arg10[%mul3A_8, %dma_start3A] : memref<10240x16xf32, #tpu.memory_space<vmem_shared>> -> memref<640x16xf32, #tpu.memory_space<vmem_shared>>
      %dma_start3A_21 = arith.constant 0 : i32
      %dma_start3A_22 = tpu.memref_slice %arg10[%mul3A_8, %dma_start3A_21] : memref<10240x16xf32, #tpu.memory_space<vmem_shared>> -> memref<640x16xf32, #tpu.memory_space<vmem_shared>>
      tpu.enqueue_dma source(%arg9 : memref<640x16xf32, #tpu.memory_space<vmem>>) target(%dma_start3A_22 : memref<640x16xf32, #tpu.memory_space<vmem_shared>>) target_semaphore(%run_scoped3A : memref<!tpu.dma_semaphore, #tpu.memory_space<semaphore_mem>>)
      %dma_wait3A = arith.constant 0 : i32
      %dma_wait3A_23 = tpu.memref_slice %arg10[%mul3A_8, %dma_wait3A] : memref<10240x16xf32, #tpu.memory_space<vmem_shared>> -> memref<640x16xf32, #tpu.memory_space<vmem_shared>>
      %dma_wait3A_24 = arith.constant 0 : i32
      %dma_wait3A_25 = tpu.memref_slice %arg10[%mul3A_8, %dma_wait3A_24] : memref<10240x16xf32, #tpu.memory_space<vmem_shared>> -> memref<640x16xf32, #tpu.memory_space<vmem_shared>>
      tpu.wait_dma2 semaphore(%run_scoped3A : memref<!tpu.dma_semaphore, #tpu.memory_space<semaphore_mem>>) src(%arg9 : memref<640x16xf32, #tpu.memory_space<vmem>>) dst(%dma_wait3A_25 : memref<640x16xf32, #tpu.memory_space<vmem_shared>>)
      tpu.yield
    }) : () -> ()
    "tpu.region"() ({
      %run_scoped3A = tpu.sem_alloc : memref<!tpu.dma_semaphore, #tpu.memory_space<semaphore_mem>>
      %dma_start3A = arith.constant 0 : i32
      %dma_start3A_20 = arith.constant 0 : i32
      %dma_start3A_21 = tpu.memref_slice %arg3[%add3A, %dma_start3A, %dma_start3A_20] : memref<32x125x80xi32, #tpu.memory_space<hbm>> -> memref<1x125x80xi32, #tpu.memory_space<hbm>>
      %dma_start3A_22 = tpu.memref_squeeze %dma_start3A_21 : memref<1x125x80xi32, #tpu.memory_space<hbm>> -> memref<125x80xi32, #tpu.memory_space<hbm>>
      %dma_start3A_23 = arith.constant 0 : i32
      %dma_start3A_24 = arith.constant 0 : i32
      %dma_start3A_25 = tpu.memref_slice %arg3[%add3A, %dma_start3A_23, %dma_start3A_24] : memref<32x125x80xi32, #tpu.memory_space<hbm>> -> memref<1x125x80xi32, #tpu.memory_space<hbm>>
      %dma_start3A_26 = tpu.memref_squeeze %dma_start3A_25 : memref<1x125x80xi32, #tpu.memory_space<hbm>> -> memref<125x80xi32, #tpu.memory_space<hbm>>
      tpu.enqueue_dma source(%dma_start3A_26 : memref<125x80xi32, #tpu.memory_space<hbm>>) target(%arg6 : memref<125x80xi32, #tpu.memory_space<vmem>>) target_semaphore(%run_scoped3A : memref<!tpu.dma_semaphore, #tpu.memory_space<semaphore_mem>>)
      %dma_wait3A = arith.constant 0 : i32
      %dma_wait3A_27 = arith.constant 0 : i32
      %dma_wait3A_28 = tpu.memref_slice %arg3[%add3A, %dma_wait3A, %dma_wait3A_27] : memref<32x125x80xi32, #tpu.memory_space<hbm>> -> memref<1x125x80xi32, #tpu.memory_space<hbm>>
      %dma_wait3A_29 = tpu.memref_squeeze %dma_wait3A_28 : memref<1x125x80xi32, #tpu.memory_space<hbm>> -> memref<125x80xi32, #tpu.memory_space<hbm>>
      %dma_wait3A_30 = arith.constant 0 : i32
      %dma_wait3A_31 = arith.constant 0 : i32
      %dma_wait3A_32 = tpu.memref_slice %arg3[%add3A, %dma_wait3A_30, %dma_wait3A_31] : memref<32x125x80xi32, #tpu.memory_space<hbm>> -> memref<1x125x80xi32, #tpu.memory_space<hbm>>
      %dma_wait3A_33 = tpu.memref_squeeze %dma_wait3A_32 : memref<1x125x80xi32, #tpu.memory_space<hbm>> -> memref<125x80xi32, #tpu.memory_space<hbm>>
      tpu.wait_dma2 semaphore(%run_scoped3A : memref<!tpu.dma_semaphore, #tpu.memory_space<semaphore_mem>>) src(%dma_wait3A_33 : memref<125x80xi32, #tpu.memory_space<hbm>>) dst(%arg6 : memref<125x80xi32, #tpu.memory_space<vmem>>)
      tpu.yield
    }) : () -> ()
    "tpu.region"() ({
      %run_scoped3A = tpu.sem_alloc : memref<!tpu.dma_semaphore, #tpu.memory_space<semaphore_mem>>
      %dma_start3A = arith.constant 0 : i32
      %dma_start3A_20 = arith.constant 0 : i32
      %dma_start3A_21 = tpu.memref_slice %arg4[%add3A, %dma_start3A, %dma_start3A_20] : memref<32x125x80xi32, #tpu.memory_space<hbm>> -> memref<1x125x80xi32, #tpu.memory_space<hbm>>
      %dma_start3A_22 = tpu.memref_squeeze %dma_start3A_21 : memref<1x125x80xi32, #tpu.memory_space<hbm>> -> memref<125x80xi32, #tpu.memory_space<hbm>>
      %dma_start3A_23 = arith.constant 0 : i32
      %dma_start3A_24 = arith.constant 0 : i32
      %dma_start3A_25 = tpu.memref_slice %arg4[%add3A, %dma_start3A_23, %dma_start3A_24] : memref<32x125x80xi32, #tpu.memory_space<hbm>> -> memref<1x125x80xi32, #tpu.memory_space<hbm>>
      %dma_start3A_26 = tpu.memref_squeeze %dma_start3A_25 : memref<1x125x80xi32, #tpu.memory_space<hbm>> -> memref<125x80xi32, #tpu.memory_space<hbm>>
      tpu.enqueue_dma source(%dma_start3A_26 : memref<125x80xi32, #tpu.memory_space<hbm>>) target(%arg7 : memref<125x80xi32, #tpu.memory_space<vmem>>) target_semaphore(%run_scoped3A : memref<!tpu.dma_semaphore, #tpu.memory_space<semaphore_mem>>)
      %dma_wait3A = arith.constant 0 : i32
      %dma_wait3A_27 = arith.constant 0 : i32
      %dma_wait3A_28 = tpu.memref_slice %arg4[%add3A, %dma_wait3A, %dma_wait3A_27] : memref<32x125x80xi32, #tpu.memory_space<hbm>> -> memref<1x125x80xi32, #tpu.memory_space<hbm>>
      %dma_wait3A_29 = tpu.memref_squeeze %dma_wait3A_28 : memref<1x125x80xi32, #tpu.memory_space<hbm>> -> memref<125x80xi32, #tpu.memory_space<hbm>>
      %dma_wait3A_30 = arith.constant 0 : i32
      %dma_wait3A_31 = arith.constant 0 : i32
      %dma_wait3A_32 = tpu.memref_slice %arg4[%add3A, %dma_wait3A_30, %dma_wait3A_31] : memref<32x125x80xi32, #tpu.memory_space<hbm>> -> memref<1x125x80xi32, #tpu.memory_space<hbm>>
      %dma_wait3A_33 = tpu.memref_squeeze %dma_wait3A_32 : memref<1x125x80xi32, #tpu.memory_space<hbm>> -> memref<125x80xi32, #tpu.memory_space<hbm>>
      tpu.wait_dma2 semaphore(%run_scoped3A : memref<!tpu.dma_semaphore, #tpu.memory_space<semaphore_mem>>) src(%dma_wait3A_33 : memref<125x80xi32, #tpu.memory_space<hbm>>) dst(%arg7 : memref<125x80xi32, #tpu.memory_space<vmem>>)
      tpu.yield
    }) : () -> ()
    %barrier3A = arith.constant 0 : index
    tpu.barrier barrier_id(%barrier3A)
    %scan3A_9 = arith.constant 0 : i32
    %scan3A_10 = arith.constant 0 : i32
    %scan3A_11 = arith.constant 125 : i32
    %scan3A_12 = arith.addi %scan3A_10, %scan3A_11 : i32
    %scan3A_13 = arith.constant 1 : i32
    scf.for %scan3A_20 = %scan3A_10 to %scan3A_12 step %scan3A_13  : i32 {
      %dma_start3A = arith.constant 0 : i32
      %dma_start3A_21 = tpu.memref_slice %arg6[%scan3A_20, %dma_start3A] : memref<125x80xi32, #tpu.memory_space<vmem>> -> memref<1x80xi32, #tpu.memory_space<vmem>>
      %dma_start3A_22 = tpu.memref_squeeze %dma_start3A_21 : memref<1x80xi32, #tpu.memory_space<vmem>> -> memref<80xi32, #tpu.memory_space<vmem>>
      %dma_start3A_23 = arith.constant 0 : i32
      %dma_start3A_24 = arith.constant 0 : i32
      %dma_start3A_25 = tpu.memref_slice %arg2[%dma_start3A_23, %dma_start3A_24] : memref<10240x16xf32, #tpu.memory_space<hbm>> -> memref<10240x16xf32, #tpu.memory_space<hbm>>
      tpu.enqueue_indirect_dma source(%dma_start3A_25 : memref<10240x16xf32, #tpu.memory_space<hbm>>) target(%arg8 : memref<80x16xf32, #tpu.memory_space<vmem>>) offsets(%dma_start3A_22 : memref<80xi32, #tpu.memory_space<vmem>>) semaphore(%arg11 : memref<!tpu.dma_semaphore, #tpu.memory_space<semaphore_mem>>)
      %dma_wait3A = arith.constant 0 : i32
      %dma_wait3A_26 = tpu.memref_slice %arg6[%scan3A_20, %dma_wait3A] : memref<125x80xi32, #tpu.memory_space<vmem>> -> memref<1x80xi32, #tpu.memory_space<vmem>>
      %dma_wait3A_27 = tpu.memref_squeeze %dma_wait3A_26 : memref<1x80xi32, #tpu.memory_space<vmem>> -> memref<80xi32, #tpu.memory_space<vmem>>
      %dma_wait3A_28 = arith.constant 0 : i32
      %dma_wait3A_29 = arith.constant 0 : i32
      %dma_wait3A_30 = tpu.memref_slice %arg2[%dma_wait3A_28, %dma_wait3A_29] : memref<10240x16xf32, #tpu.memory_space<hbm>> -> memref<10240x16xf32, #tpu.memory_space<hbm>>
      tpu.wait_indirect_dma semaphore(%arg11 : memref<!tpu.dma_semaphore, #tpu.memory_space<semaphore_mem>>) src(%dma_wait3A_30 : memref<10240x16xf32, #tpu.memory_space<hbm>>) dst(%arg8 : memref<80x16xf32, #tpu.memory_space<vmem>>)
      "tpu.region"() ({
        %run_scoped3A = tpu.sem_alloc : memref<!tpu.dma_semaphore, #tpu.memory_space<semaphore_mem>>
        %dma_start3A_31 = arith.constant 0 : i32
        %dma_start3A_32 = tpu.memref_slice %arg7[%scan3A_20, %dma_start3A_31] : memref<125x80xi32, #tpu.memory_space<vmem>> -> memref<1x80xi32, #tpu.memory_space<vmem>>
        %dma_start3A_33 = tpu.memref_squeeze %dma_start3A_32 : memref<1x80xi32, #tpu.memory_space<vmem>> -> memref<80xi32, #tpu.memory_space<vmem>>
        %dma_start3A_34 = arith.constant 0 : i32
        %dma_start3A_35 = arith.constant 0 : i32
        %dma_start3A_36 = tpu.memref_slice %arg10[%dma_start3A_34, %dma_start3A_35] : memref<10240x16xf32, #tpu.memory_space<vmem_shared>> -> memref<10240x16xf32, #tpu.memory_space<vmem_shared>>
        tpu.enqueue_indirect_dma source(%arg8 : memref<80x16xf32, #tpu.memory_space<vmem>>) target(%dma_start3A_36 : memref<10240x16xf32, #tpu.memory_space<vmem_shared>>) offsets(%dma_start3A_33 : memref<80xi32, #tpu.memory_space<vmem>>) semaphore(%run_scoped3A : memref<!tpu.dma_semaphore, #tpu.memory_space<semaphore_mem>>) {add = true}
        %dma_wait3A_37 = arith.constant 0 : i32
        %dma_wait3A_38 = tpu.memref_slice %arg7[%scan3A_20, %dma_wait3A_37] : memref<125x80xi32, #tpu.memory_space<vmem>> -> memref<1x80xi32, #tpu.memory_space<vmem>>
        %dma_wait3A_39 = tpu.memref_squeeze %dma_wait3A_38 : memref<1x80xi32, #tpu.memory_space<vmem>> -> memref<80xi32, #tpu.memory_space<vmem>>
        %dma_wait3A_40 = arith.constant 0 : i32
        %dma_wait3A_41 = arith.constant 0 : i32
        %dma_wait3A_42 = tpu.memref_slice %arg10[%dma_wait3A_40, %dma_wait3A_41] : memref<10240x16xf32, #tpu.memory_space<vmem_shared>> -> memref<10240x16xf32, #tpu.memory_space<vmem_shared>>
        tpu.wait_indirect_dma semaphore(%run_scoped3A : memref<!tpu.dma_semaphore, #tpu.memory_space<semaphore_mem>>) src(%arg8 : memref<80x16xf32, #tpu.memory_space<vmem>>) dst(%dma_wait3A_42 : memref<10240x16xf32, #tpu.memory_space<vmem_shared>>)
        tpu.yield
      }) : () -> ()
    }
    %scan3A_14 = arith.constant 125 : i32
    %barrier3A_15 = arith.constant 0 : index
    tpu.barrier barrier_id(%barrier3A_15)
    %mul3A_16 = arith.constant 640 : i32
    %mul3A_17 = arith.muli %arg1, %mul3A_16 : i32
    %mul3A_18 = arith.constant 640 : i32
    %mul3A_19 = arith.muli %arg1, %mul3A_18 : i32
    "tpu.region"() ({
      %run_scoped3A = tpu.sem_alloc : memref<!tpu.dma_semaphore, #tpu.memory_space<semaphore_mem>>
      %dma_start3A = arith.constant 0 : i32
      %dma_start3A_20 = tpu.memref_slice %arg5[%arg0, %mul3A_19, %dma_start3A] : memref<2x10240x16xf32, #tpu.memory_space<hbm>> -> memref<1x640x16xf32, #tpu.memory_space<hbm>>
      %dma_start3A_21 = tpu.memref_squeeze %dma_start3A_20 : memref<1x640x16xf32, #tpu.memory_space<hbm>> -> memref<640x16xf32, #tpu.memory_space<hbm>>
      %dma_start3A_22 = arith.constant 0 : i32
      %dma_start3A_23 = tpu.memref_slice %arg10[%mul3A_17, %dma_start3A_22] : memref<10240x16xf32, #tpu.memory_space<vmem_shared>> -> memref<640x16xf32, #tpu.memory_space<vmem_shared>>
      tpu.enqueue_dma source(%dma_start3A_23 : memref<640x16xf32, #tpu.memory_space<vmem_shared>>) target(%dma_start3A_21 : memref<640x16xf32, #tpu.memory_space<hbm>>) target_semaphore(%run_scoped3A : memref<!tpu.dma_semaphore, #tpu.memory_space<semaphore_mem>>)
      %dma_wait3A = arith.constant 0 : i32
      %dma_wait3A_24 = tpu.memref_slice %arg5[%arg0, %mul3A_19, %dma_wait3A] : memref<2x10240x16xf32, #tpu.memory_space<hbm>> -> memref<1x640x16xf32, #tpu.memory_space<hbm>>
      %dma_wait3A_25 = tpu.memref_squeeze %dma_wait3A_24 : memref<1x640x16xf32, #tpu.memory_space<hbm>> -> memref<640x16xf32, #tpu.memory_space<hbm>>
      %dma_wait3A_26 = arith.constant 0 : i32
      %dma_wait3A_27 = tpu.memref_slice %arg10[%mul3A_17, %dma_wait3A_26] : memref<10240x16xf32, #tpu.memory_space<vmem_shared>> -> memref<640x16xf32, #tpu.memory_space<vmem_shared>>
      tpu.wait_dma2 semaphore(%run_scoped3A : memref<!tpu.dma_semaphore, #tpu.memory_space<semaphore_mem>>) src(%dma_wait3A_27 : memref<640x16xf32, #tpu.memory_space<vmem_shared>>) dst(%dma_wait3A_25 : memref<640x16xf32, #tpu.memory_space<hbm>>)
      tpu.yield
    }) : () -> ()
    return
  }
}

module attributes {stable_mosaic.version = 14 : i64} {
  func.func @_prep_body(%arg0: memref<2x10240x16xf32, #tpu.memory_space<vmem>>, %arg1: memref<10240x128xf32, #tpu.memory_space<vmem>>, %arg2: memref<128x16xf32, #tpu.memory_space<vmem>>, %arg3: memref<10240x16xf32, #tpu.memory_space<vmem>>, %arg4: memref<10240x16xf32, #tpu.memory_space<vmem>>) attributes {dimension_semantics = [], scalar_prefetch = 0 : i64, scratch_operands = 0 : i64, tpu.core_type = #tpu.core_type<tc>} {
    %get3A = arith.constant 0 : index
    %get3A_0 = arith.constant 0 : index
    %get3A_1 = arith.constant 0 : index
    %get3A_2 = vector.load %arg0[%get3A, %get3A_0, %get3A_1] : memref<2x10240x16xf32, #tpu.memory_space<vmem>>, vector<1x10240x1xf32>
    %get3A_3 = vector.shape_cast %get3A_2 : vector<1x10240x1xf32> to vector<10240xf32>
    %get3A_4 = arith.constant 1 : index
    %get3A_5 = arith.constant 0 : index
    %get3A_6 = arith.constant 0 : index
    %get3A_7 = vector.load %arg0[%get3A_4, %get3A_5, %get3A_6] : memref<2x10240x16xf32, #tpu.memory_space<vmem>>, vector<1x10240x1xf32>
    %get3A_8 = vector.shape_cast %get3A_7 : vector<1x10240x1xf32> to vector<10240xf32>
    %add3A = arith.addf %get3A_3, %get3A_8 : vector<10240xf32>
    %add3A_9 = arith.constant 1.000000e+00 : f32
    %add3A_10 = vector.broadcast %add3A_9 : f32 to vector<10240xf32>
    %add3A_11 = arith.addf %add3A, %add3A_10 : vector<10240xf32>
    %rsqrt3A = math.rsqrt %add3A_11 : vector<10240xf32>
    %get3A_12 = arith.constant 0 : index
    %get3A_13 = arith.constant 0 : index
    %get3A_14 = vector.load %arg1[%get3A_12, %get3A_13] : memref<10240x128xf32, #tpu.memory_space<vmem>>, vector<10240x128xf32>
    %get3A_15 = arith.constant 0 : index
    %get3A_16 = arith.constant 0 : index
    %get3A_17 = vector.load %arg2[%get3A_15, %get3A_16] : memref<128x16xf32, #tpu.memory_space<vmem>>, vector<128x16xf32>
    %dot_general3A = arith.constant dense<0.000000e+00> : vector<10240x16xf32>
    %dot_general3A_18 = tpu.matmul %get3A_14, %get3A_17, %dot_general3A {dimension_numbers = #tpu.dot_dimension_numbers<[1], [0], [0], [1], [0, 0, 1, 1], [], []>, transpose_lhs_hint = false} : vector<10240x128xf32>, vector<128x16xf32>, vector<10240x16xf32> -> vector<10240x16xf32>
    %broadcast_in_dim3A = vector.shape_cast %rsqrt3A : vector<10240xf32> to vector<10240x1xf32>
    %mul3A = vector.broadcast %broadcast_in_dim3A : vector<10240x1xf32> to vector<10240x16xf32>
    %mul3A_19 = arith.mulf %dot_general3A_18, %mul3A : vector<10240x16xf32>
    %swap3A = arith.constant 0 : index
    %swap3A_20 = arith.constant 0 : index
    %swap3A_21 = vector.load %arg3[%swap3A, %swap3A_20] : memref<10240x16xf32, #tpu.memory_space<vmem>>, vector<10240x16xf32>
    tpu.vector_store %arg3[%swap3A, %swap3A_20], %mul3A_19 {strides = array<i32>} : memref<10240x16xf32, #tpu.memory_space<vmem>>, vector<10240x16xf32>,
    %broadcast_in_dim3A_22 = vector.shape_cast %rsqrt3A : vector<10240xf32> to vector<10240x1xf32>
    %broadcast_in_dim3A_23 = vector.shape_cast %broadcast_in_dim3A_22 : vector<10240x1xf32> to vector<10240x1xf32>
    %broadcast_in_dim3A_24 = vector.broadcast %broadcast_in_dim3A_23 : vector<10240x1xf32> to vector<10240x16xf32>
    %swap3A_25 = arith.constant 0 : index
    %swap3A_26 = arith.constant 0 : index
    %swap3A_27 = vector.load %arg4[%swap3A_25, %swap3A_26] : memref<10240x16xf32, #tpu.memory_space<vmem>>, vector<10240x16xf32>
    tpu.vector_store %arg4[%swap3A_25, %swap3A_26], %broadcast_in_dim3A_24 {strides = array<i32>} : memref<10240x16xf32, #tpu.memory_space<vmem>>, vector<10240x16xf32>,
    return
  }
}

module attributes {stable_mosaic.version = 14 : i64} {
  func.func @_mid_body(%arg0: memref<2x10240x16xf32, #tpu.memory_space<vmem>>, %arg1: memref<10240x16xf32, #tpu.memory_space<vmem>>, %arg2: memref<10240x16xf32, #tpu.memory_space<vmem>>, %arg3: memref<1x16xf32, #tpu.memory_space<vmem>>, %arg4: memref<16x16xf32, #tpu.memory_space<vmem>>, %arg5: memref<10240x16xf32, #tpu.memory_space<vmem>>) attributes {dimension_semantics = [], scalar_prefetch = 0 : i64, scratch_operands = 0 : i64, tpu.core_type = #tpu.core_type<tc>} {
    %get3A = arith.constant 0 : index
    %get3A_0 = arith.constant 0 : index
    %get3A_1 = arith.constant 0 : index
    %get3A_2 = vector.load %arg0[%get3A, %get3A_0, %get3A_1] : memref<2x10240x16xf32, #tpu.memory_space<vmem>>, vector<1x10240x16xf32>
    %get3A_3 = vector.shape_cast %get3A_2 : vector<1x10240x16xf32> to vector<10240x16xf32>
    %get3A_4 = arith.constant 1 : index
    %get3A_5 = arith.constant 0 : index
    %get3A_6 = arith.constant 0 : index
    %get3A_7 = vector.load %arg0[%get3A_4, %get3A_5, %get3A_6] : memref<2x10240x16xf32, #tpu.memory_space<vmem>>, vector<1x10240x16xf32>
    %get3A_8 = vector.shape_cast %get3A_7 : vector<1x10240x16xf32> to vector<10240x16xf32>
    %add3A = arith.addf %get3A_3, %get3A_8 : vector<10240x16xf32>
    %get3A_9 = arith.constant 0 : index
    %get3A_10 = arith.constant 0 : index
    %get3A_11 = vector.load %arg1[%get3A_9, %get3A_10] : memref<10240x16xf32, #tpu.memory_space<vmem>>, vector<10240x16xf32>
    %add3A_12 = arith.addf %add3A, %get3A_11 : vector<10240x16xf32>
    %get3A_13 = arith.constant 0 : index
    %get3A_14 = arith.constant 0 : index
    %get3A_15 = vector.load %arg2[%get3A_13, %get3A_14] : memref<10240x16xf32, #tpu.memory_space<vmem>>, vector<10240x16xf32>
    %mul3A = arith.mulf %get3A_15, %add3A_12 : vector<10240x16xf32>
    %get3A_16 = arith.constant 0 : index
    %get3A_17 = arith.constant 0 : index
    %get3A_18 = vector.load %arg3[%get3A_16, %get3A_17] : memref<1x16xf32, #tpu.memory_space<vmem>>, vector<1x16xf32>
    %add3A_19 = vector.broadcast %get3A_18 : vector<1x16xf32> to vector<10240x16xf32>
    %add3A_20 = arith.addf %mul3A, %add3A_19 : vector<10240x16xf32>
    %max3A = arith.constant 0.000000e+00 : f32
    %max3A_21 = vector.broadcast %max3A : f32 to vector<10240x16xf32>
    %max3A_22 = arith.maximumf %add3A_20, %max3A_21 : vector<10240x16xf32>
    %get3A_23 = arith.constant 0 : index
    %get3A_24 = arith.constant 0 : index
    %get3A_25 = vector.load %arg4[%get3A_23, %get3A_24] : memref<16x16xf32, #tpu.memory_space<vmem>>, vector<16x16xf32>
    %dot_general3A = arith.constant dense<0.000000e+00> : vector<10240x16xf32>
    %dot_general3A_26 = tpu.matmul %max3A_22, %get3A_25, %dot_general3A {dimension_numbers = #tpu.dot_dimension_numbers<[1], [0], [0], [1], [0, 0, 1, 1], [], []>, transpose_lhs_hint = false} : vector<10240x16xf32>, vector<16x16xf32>, vector<10240x16xf32> -> vector<10240x16xf32>
    %get3A_27 = arith.constant 0 : index
    %get3A_28 = arith.constant 0 : index
    %get3A_29 = vector.load %arg2[%get3A_27, %get3A_28] : memref<10240x16xf32, #tpu.memory_space<vmem>>, vector<10240x16xf32>
    %mul3A_30 = arith.mulf %dot_general3A_26, %get3A_29 : vector<10240x16xf32>
    %swap3A = arith.constant 0 : index
    %swap3A_31 = arith.constant 0 : index
    %swap3A_32 = vector.load %arg5[%swap3A, %swap3A_31] : memref<10240x16xf32, #tpu.memory_space<vmem>>, vector<10240x16xf32>
    tpu.vector_store %arg5[%swap3A, %swap3A_31], %mul3A_30 {strides = array<i32>} : memref<10240x16xf32, #tpu.memory_space<vmem>>, vector<10240x16xf32>,
    return
  }
}

module attributes {stable_mosaic.version = 14 : i64} {
  func.func @_fin_body(%arg0: memref<2x10240x16xf32, #tpu.memory_space<vmem>>, %arg1: memref<10240x16xf32, #tpu.memory_space<vmem>>, %arg2: memref<10240x16xf32, #tpu.memory_space<vmem>>, %arg3: memref<1x16xf32, #tpu.memory_space<vmem>>, %arg4: memref<16x2xf32, #tpu.memory_space<vmem>>, %arg5: memref<1x2xf32, #tpu.memory_space<vmem>>, %arg6: memref<10240x2xf32, #tpu.memory_space<vmem>>) attributes {dimension_semantics = [], scalar_prefetch = 0 : i64, scratch_operands = 0 : i64, tpu.core_type = #tpu.core_type<tc>} {
    %get3A = arith.constant 0 : index
    %get3A_0 = arith.constant 0 : index
    %get3A_1 = arith.constant 0 : index
    %get3A_2 = vector.load %arg0[%get3A, %get3A_0, %get3A_1] : memref<2x10240x16xf32, #tpu.memory_space<vmem>>, vector<1x10240x16xf32>
    %get3A_3 = vector.shape_cast %get3A_2 : vector<1x10240x16xf32> to vector<10240x16xf32>
    %get3A_4 = arith.constant 1 : index
    %get3A_5 = arith.constant 0 : index
    %get3A_6 = arith.constant 0 : index
    %get3A_7 = vector.load %arg0[%get3A_4, %get3A_5, %get3A_6] : memref<2x10240x16xf32, #tpu.memory_space<vmem>>, vector<1x10240x16xf32>
    %get3A_8 = vector.shape_cast %get3A_7 : vector<1x10240x16xf32> to vector<10240x16xf32>
    %add3A = arith.addf %get3A_3, %get3A_8 : vector<10240x16xf32>
    %get3A_9 = arith.constant 0 : index
    %get3A_10 = arith.constant 0 : index
    %get3A_11 = vector.load %arg1[%get3A_9, %get3A_10] : memref<10240x16xf32, #tpu.memory_space<vmem>>, vector<10240x16xf32>
    %add3A_12 = arith.addf %add3A, %get3A_11 : vector<10240x16xf32>
    %get3A_13 = arith.constant 0 : index
    %get3A_14 = arith.constant 0 : index
    %get3A_15 = vector.load %arg2[%get3A_13, %get3A_14] : memref<10240x16xf32, #tpu.memory_space<vmem>>, vector<10240x16xf32>
    %mul3A = arith.mulf %get3A_15, %add3A_12 : vector<10240x16xf32>
    %get3A_16 = arith.constant 0 : index
    %get3A_17 = arith.constant 0 : index
    %get3A_18 = vector.load %arg3[%get3A_16, %get3A_17] : memref<1x16xf32, #tpu.memory_space<vmem>>, vector<1x16xf32>
    %add3A_19 = vector.broadcast %get3A_18 : vector<1x16xf32> to vector<10240x16xf32>
    %add3A_20 = arith.addf %mul3A, %add3A_19 : vector<10240x16xf32>
    %max3A = arith.constant 0.000000e+00 : f32
    %max3A_21 = vector.broadcast %max3A : f32 to vector<10240x16xf32>
    %max3A_22 = arith.maximumf %add3A_20, %max3A_21 : vector<10240x16xf32>
    %get3A_23 = arith.constant 0 : index
    %get3A_24 = arith.constant 0 : index
    %get3A_25 = vector.load %arg4[%get3A_23, %get3A_24] : memref<16x2xf32, #tpu.memory_space<vmem>>, vector<16x2xf32>
    %dot_general3A = arith.constant dense<0.000000e+00> : vector<10240x2xf32>
    %dot_general3A_26 = tpu.matmul %max3A_22, %get3A_25, %dot_general3A {dimension_numbers = #tpu.dot_dimension_numbers<[1], [0], [0], [1], [0, 0, 1, 1], [], []>, transpose_lhs_hint = false} : vector<10240x16xf32>, vector<16x2xf32>, vector<10240x2xf32> -> vector<10240x2xf32>
    %get3A_27 = arith.constant 0 : index
    %get3A_28 = arith.constant 0 : index
    %get3A_29 = vector.load %arg5[%get3A_27, %get3A_28] : memref<1x2xf32, #tpu.memory_space<vmem>>, vector<1x2xf32>
    %add3A_30 = vector.broadcast %get3A_29 : vector<1x2xf32> to vector<10240x2xf32>
    %add3A_31 = arith.addf %dot_general3A_26, %add3A_30 : vector<10240x2xf32>
    %reduce_max3A = arith.constant dense<0xFF800000> : vector<10240xf32>
    %reduce_max3A_32 = vector.multi_reduction <maximumf>, %add3A_31, %reduce_max3A [1] : vector<10240x2xf32> to vector<10240xf32>
    %broadcast_in_dim3A = vector.shape_cast %reduce_max3A_32 : vector<10240xf32> to vector<10240x1xf32>
    %sub3A = vector.broadcast %broadcast_in_dim3A : vector<10240x1xf32> to vector<10240x2xf32>
    %sub3A_33 = arith.subf %add3A_31, %sub3A : vector<10240x2xf32>
    %exp3A = math.exp %sub3A_33 : vector<10240x2xf32>
    %reduce_sum3A = arith.constant dense<0.000000e+00> : vector<10240xf32>
    %reduce_sum3A_34 = vector.multi_reduction <add>, %exp3A, %reduce_sum3A [1] : vector<10240x2xf32> to vector<10240xf32>
    %broadcast_in_dim3A_35 = vector.shape_cast %reduce_sum3A_34 : vector<10240xf32> to vector<10240x1xf32>
    %log3A = math.log %broadcast_in_dim3A_35 : vector<10240x1xf32>
    %add3A_36 = arith.addf %log3A, %broadcast_in_dim3A : vector<10240x1xf32>
    %sub3A_37 = vector.broadcast %add3A_36 : vector<10240x1xf32> to vector<10240x2xf32>
    %sub3A_38 = arith.subf %add3A_31, %sub3A_37 : vector<10240x2xf32>
    %swap3A = arith.constant 0 : index
    %swap3A_39 = arith.constant 0 : index
    %swap3A_40 = vector.load %arg6[%swap3A, %swap3A_39] : memref<10240x2xf32, #tpu.memory_space<vmem>>, vector<10240x2xf32>
    tpu.vector_store %arg6[%swap3A, %swap3A_39], %sub3A_38 {strides = array<i32>} : memref<10240x2xf32, #tpu.memory_space<vmem>>, vector<10240x2xf32>,
    return
  }
}

</mosaic_0001>

<sc_bundles>
// kernel: kernel.11.cloned.1.call-start
scs
__scs_entry_jumppad:
0x0: {  	(pc) =	sbr.rel $0x88, $3  }
0x1: {  	(tag) =	ssettag $0x0;
	lr =	simm.s32 $0x1  }
0x2: {  	[smem:$0x3F99] =	sst lr;
	_ =	strace $0xD0000000  }
0x3: {  	_ = 	snop  }
0x4: {  	_ = 	snop  }
0x5: {  	_ = 	snop  }
0x6: {  	_ = 	snop  }
0x7: {  	_ = 	snop  }
__scs_overlays_trampoline_lowered:
0x8: {  	[smem:$0x3FA8] =	sst s0  }
0x9: {  	[smem:$0x3FA9] =	sst s1  }
0xa: {  	[smem:$0x3FAA] =	sst s2  }
0xb: {  	[smem:$0x3FAB] =	sst s3  }
0xc: {  	[smem:$0x3FAC] =	sst s4  }
0xd: {  	[smem:$0x3FAD] =	sst s5  }
0xe: {  	[smem:$0x3FAE] =	sst s6  }
0xf: {  	[smem:$0x3FAF] =	sst s7  }
0x10: {  	[smem:$0x3FB0] =	sst s8  }
0x11: {  	[smem:$0x3FB1] =	sst s9;
	s0 =	simm.s32 @!p0 $0x0  }
0x12: {  	s1 =	sld [smem:$0x3F97];
	s0 =	simm.s32 @p0 $0x1  }
0x13: {  	[smem:$0x3FB2] =	sst s0;
	s0 =	simm.s32 @!p1 $0x0  }
0x14: {  	s2 =	sld [smem:$0x3F96];
	s0 =	simm.s32 @p1 $0x1  }
0x15: {  	[smem:$0x3FB3] =	sst s0;
	s0 =	simm.s32 @!p2 $0x0  }
0x16: {  	s3 =	sld [smem:$0x3FDB];
	s0 =	simm.s32 @p2 $0x1  }
0x17: {  	s4 =	simm.s32 $0x1BF5;
	[smem:$0x3FB5] =	sst s0  }
0x18: {  	s0 =	sld [smem:$0x3F98];
	_ =	swait.ge [sflag:s4], $0x0  }
0x19: {  	s7 =	sld [smem:$0x3F99]  }
0x1a: {  	s8 =	sadd.s32 $0xFFFFE003, lr  }
0x1b: {  	s9 =	sadd.s32 $0xFFFFFEF7, lr;
	s5 =	simm.s32 $0xFFFFFFFF;
	p2 =	slt.u32 s8, $0xFFFFF086  }
0x1c: {  	p1 =	slt.u32 s9, $0xF7A;
	s5 =	simm.s32 @!p2 $0x0  }
0x1d: {  	s5 =	simm.s32 @p1 $0x1;
	p0 =	seq.s32 s7, s2  }
0x1e: {  	s7 =	smul.u32 @!p0 $0xF7A, s2;
	p2 =	seq.s32 @!p0 s5, $0x0  }
0x1f: {  	s9 =	smul.u32 $0xF7A, s1;
	s8 =	simm.s32 @!p0 $0x1BF5;
	p2 =	por !p2, p0  }
0x20: {  	[sflag:s8] =	ssyncset.s32 @!p0 $0xFFFFF086;
	s6 =	sadd.s32 @!p0 s3, s7;
	s7 =	simm.s32 @!p0 $0x108  }
0x21: {  	s3 =	sadd.s32 s3, s9;
	s6 =	sadd.s32 @!p0 $0x88, s6;
	s7 =	simm.s32 @p2 $0x1082  }
0x22: {  	[simem:s7], [sflag:s8] =	dma.local @!p0 [hbm:s6], $0xF7A  }
0x23: {  	s9 =	sor.u32 $0xD0000000, s2;
	s6 =	simm.s32 $0x108;
	_ =	swait.ge @!p0 [sflag:s8], $0x0  }
0x24: {  	s3 =	sadd.s32 $0x88, s3;
	s6 =	simm.s32 @!p1 $0x1082;
	[sflag:s4] =	ssyncset.s32 $0xFFFFF086  }
0x25: {  	[simem:s6], [sflag:s4] =	dma.local [hbm:s3], $0xF7A  }
0x26: {  	[smem:$0x3F99] =	sst s1;
	(tag) =	ssettag s2;
	_ =	strace s9  }
0x27: {  	s1 =	sld [smem:$0x3FA9]  }
0x28: {  	s2 =	sld [smem:$0x3FAA]  }
0x29: {  	s4 =	sld [smem:$0x3FAC]  }
0x2a: {  	p0 =	seq.s32 s5, $0x0;
	s5 =	sld [smem:$0x3FAD]  }
0x2b: {  	s6 =	sld [smem:$0x3FAE]  }
0x2c: {  	s7 =	sld [smem:$0x3FAF]  }
0x2d: {  	s3 =	simm.s32 $0x108;
	s8 =	sld [smem:$0x3FB0]  }
0x2e: {  	s3 =	simm.s32 @!p0 $0x1082;
	s9 =	sld [smem:$0x3FB1]  }
0x2f: {  	lr =	sadd.s32 s0, s3;
	s0 =	sld [smem:$0x3FA8]  }
0x30: {  	s3 =	sld [smem:$0x3FAB]  }
0x31: {  	[smem:$0x3FB4] =	sst s10  }
0x32: {  	s10 =	sld [smem:$0x3FB2];
	_ =	sdelay $0x3  }
0x33: {  	p0 =	seq.s32 s10, $0x1;
	s10 =	sld [smem:$0x3FB4];
	_ =	sdelay $0x3  }
0x34: {  	[smem:$0x3FB4] =	sst s10  }
0x35: {  	s10 =	sld [smem:$0x3FB3];
	_ =	sdelay $0x3  }
0x36: {  	p1 =	seq.s32 s10, $0x1;
	s10 =	sld [smem:$0x3FB4];
	_ =	sdelay $0x3  }
0x37: {  	[smem:$0x3FB4] =	sst s10  }
0x38: {  	s10 =	sld [smem:$0x3FB5]  }
0x39: {  	_ = 	snop;
	(pc) =	sbr.ind lr, $3  }
0x3a: {  	_ = 	snop  }
0x3b: {  	_ = 	snop  }
0x3c: {  	p2 =	seq.s32 s10, $0x1;
	s10 =	sld [smem:$0x3FB4]  }
0x3d: {  	_ =	shalt  }
0x3e: {  	_ =	shalt  }
0x3f: {  	_ =	shalt  }
0x40: {  	_ =	shalt  }
0x41: {  	_ =	shalt  }
0x42: {  	_ =	shalt  }
0x43: {  	_ =	shalt  }
0x44: {  	_ =	shalt  }
0x45: {  	_ =	shalt  }
0x46: {  	_ =	shalt  }
0x47: {  	_ =	shalt  }
0x48: {  	_ =	shalt  }
0x49: {  	_ =	shalt  }
0x4a: {  	_ =	shalt  }
0x4b: {  	_ =	shalt  }
0x4c: {  	_ =	shalt  }
0x4d: {  	_ =	shalt  }
0x4e: {  	_ =	shalt  }
0x4f: {  	_ =	shalt  }
0x50: {  	_ =	shalt  }
0x51: {  	_ =	shalt  }
0x52: {  	_ =	shalt  }
0x53: {  	_ =	shalt  }
0x54: {  	_ =	shalt  }
0x55: {  	_ =	shalt  }
0x56: {  	_ =	shalt  }
0x57: {  	_ =	shalt  }
0x58: {  	_ =	shalt  }
0x59: {  	_ =	shalt  }
0x5a: {  	_ =	shalt  }
0x5b: {  	_ =	shalt  }
0x5c: {  	_ =	shalt  }
0x5d: {  	_ =	shalt  }
0x5e: {  	_ =	shalt  }
0x5f: {  	_ =	shalt  }
0x60: {  	_ =	shalt  }
0x61: {  	_ =	shalt  }
0x62: {  	_ =	shalt  }
0x63: {  	_ =	shalt  }
0x64: {  	_ =	shalt  }
0x65: {  	_ =	shalt  }
0x66: {  	_ =	shalt  }
0x67: {  	_ =	shalt  }
0x68: {  	_ =	shalt  }
0x69: {  	_ =	shalt  }
0x6a: {  	_ =	shalt  }
0x6b: {  	_ =	shalt  }
0x6c: {  	_ =	shalt  }
0x6d: {  	_ =	shalt  }
0x6e: {  	_ =	shalt  }
0x6f: {  	_ =	shalt  }
0x70: {  	_ =	shalt  }
0x71: {  	_ =	shalt  }
0x72: {  	_ =	shalt  }
0x73: {  	_ =	shalt  }
0x74: {  	_ =	shalt  }
0x75: {  	_ =	shalt  }
0x76: {  	_ =	shalt  }
0x77: {  	_ =	shalt  }
0x78: {  	_ =	shalt  }
0x79: {  	_ =	shalt  }
0x7a: {  	_ =	shalt  }
0x7b: {  	_ =	shalt  }
0x7c: {  	_ =	shalt  }
0x7d: {  	_ =	shalt  }
0x7e: {  	_ =	shalt  }
0x7f: {  	_ =	shalt  }
0x80: {  	_ =	shalt  }
0x81: {  	_ =	shalt  }
0x82: {  	_ =	shalt  }
0x83: {  	_ =	shalt  }
0x84: {  	_ =	shalt  }
0x85: {  	_ =	shalt  }
0x86: {  	_ =	shalt  }
0x87: {  	_ =	shalt  }
.Lfunc_end0:
.L_simem_size_0:
called_computation.1_lowered:
.L_overlay_start_0:
0x88: {  	s2 =	sld [smem:$0x3FD9]  }
0x89: {  	s3 =	sld [smem:$0x3FFE];
	_ =	sdelay $0x1  }
0x8a: {  	s1 =	srdreg.scid  }
0x8b: {  	s0 =	sand.u32 $0x1, s1  }
0x8c: {  	s16 =	sshll.u32 s0, $0xA;
	s2 =	sadd.s32 s3, s2  }
0x8d: {  	s2 =	sadd.s32 s2, s16  }
0x8e: {  	[smem:$0x3FC0] =	sst s2  }
0x8f: {  	_ = 	snop  }
0x90: {  	(tm) =	ssettm $0x1  }
0x91: {  	s17 =	sld [smem:$0x3FFB];
	_ =	sdelay $0x3  }
0x92: {  	_ =	strace s17  }
0x93: {  	s2 =	sld [smem:$0x3FFC];
	_ =	sdelay $0x3  }
0x94: {  	_ =	strace s2  }
0x95: {  	s2 =	sld [smem:$0x3FFD];
	_ =	sdelay $0x3  }
0x96: {  	_ =	strace s2  }
0x97: {  	_ =	strace $0x8FFFFFFF  }
0x98: {  	s18 =	sld [smem:$0x3FDB];
	_ =	sdelay $0x1  }
0x99: {  	s19 =	simm.s32 $_scs_section_size  }
0x9a: {  	s4 =	simm.s32 $_size__tile_overlayer_lowered;
	s5 =	simm.s32 $_tile_overlayer_lowered  }
0x9b: {  	s22 =	simm.s32 $0x1BFF;
	s21 =	sshll.u32 s5, $0x1;
	s2 =	sadd.s32 s19, s18  }
0x9c: {  	s6 =	simm.s32 $0x0;
	s20 =	sshll.u32 s4, $0x1;
	s4 =	sadd.s32 s21, s2  }
0x9d: {  	[timem:s6], [sflag:s22] =	dma.local [hbm:s4], s20  }
0x9e: {  	_ =	swait.ge [sflag:s22], s20  }
0x9f: {  	s3 =	ssub.s32 $0x0, s20;
	[sflag:s22] =	ssyncset.done $0x0  }
0xa0: {  	[sflag:s22] =	ssyncadd.s32 s3;
	_ =	sdelay $0x1  }
0xa1: {  	s23 =	simm.s32 $0x1B8B  }
0xa2: {  	_ =	swait.ge [sflag:s23], $0x1  }
0xa3: {  	[sflag:s23] =	ssyncset.done $0x0  }
0xa4: {  	s25 =	simm.s32 $0x1B8E;
	s24 =	sld [smem:$0x3FFE];
	[sflag:s23] =	ssyncadd.s32 $0xFFFFFFFF  }
0xa5: {  	s26 =	simm.s32 $execute0_lowered;
	[smem:$0x3FD2] =	sst s25  }
0xa6: {  	s4 =	sshll.u32 s26, $0x1;
	_ =	strace $0x80000049;
	[dreg:$0x1] =	wrdreg $0xFFFFFFFF  }
0xa7: {  	s28 =	simm.s32 $_size_execute0_lowered;
	s2 =	sadd.s32 s2, s4;
	[dreg:$0x0] =	wrdreg $0x0  }
0xa8: {  	s4 =	sshll.u32 s28, $0x1;
	[dreg:$0x2] =	wrdreg s2  }
0xa9: {  	[dreg:$0x3] =	wrdreg s4  }
0xaa: {  	[dreg:$0x4] =	wrdreg $0xC0  }
0xab: {  	_ =	task [dreg:s6], $0x5FFFF  }
0xac: {  	[dreg:$0x1] =	wrdreg $0xFFFFFFFF  }
0xad: {  	[dreg:$0x0] =	wrdreg $0x60  }
0xae: {  	[dreg:$0x2] =	wrdreg s24  }
0xaf: {  	[dreg:$0x3] =	wrdreg $0x7B200  }
0xb0: {  	[dreg:$0x4] =	wrdreg $0x9  }
0xb1: {  	_ =	task.clear_ibuf [dreg:s6], $0x5FFFF;
	_ =	strace $0x90000049  }
0xb2: {  	s29 =	simm.s32 $0x9;
	_ =	strace $0x8000004B  }
0xb3: {  	_ =	swait.ge [sflag:s29], $0x1  }
0xb4: {  	[sflag:s29] =	ssyncadd.s32 $0xFFFFFFFF  }
0xb5: {  	_ =	strace $0x9000004B  }
0xb6: {  	_ =	sfence  }
0xb7: {  	s30 =	sld [smem:$0x0];
	_ =	sdelay $0x2  }
0xb8: {  	s31 =	sshll.u32 s1, $0xD;
	s1 =	sshrl.u32 s1, $0x2  }
0xb9: {  	s3 =	sand.u32 $0x4000, s31;
	s1 =	sadd.s32 s1, s30  }
0xba: {  	s0 =	sor.u32 s3, s0;
	s1 =	sshll.u32 s1, $0x11  }
0xbb: {  	s0 =	sor.u32 s1, s0  }
0xbc: {  	s0 =	sadd.s32 $0x8F2B, s0  }
0xbd: {  	[sflag:s0] =	ssyncadd.remote.s32 $0x1  }
0xbe: {  	_ =	sfence.sel $0xFFFF  }
0xbf: {  	[dreg:$0x0] =	wrdreg $0xFFFFFFFF;
	(pc) =	sbr.abs _section_cstart, $3  }
0xc0: {  	[dreg:$0x1] =	wrdreg $0xFFFFFFFF  }
0xc1: {  	_ =	task.clear_ibuf [dreg:s6], $0x2FFFF;
	_ =	strace $0x9FFFFFFF  }
0xc2: {  	(tm) =	ssettm $0x7FFFFFFF  }
0xc3: {  	_ =	shalt  }
tec
execute0_lowered:
.L_overlay_start_1:
0x0: {  	(tag) =	ssettag $0x1  }
0x1: {  	s5 =	rddreg [dreg:$0x0]  }
0x2: {  	s2 =	rddreg [dreg:$0x1];
	s3 =	srdreg.scid  }
0x3: {  	s1 =	stileid.u32;
	s0 =	rddreg [dreg:$0x2];
	s11 =	simm.s32 $0x2  }
0x4: {  	s12 =	simm.s32 $0x2710;
	s13 =	simm.s32 $0x50;
	s14 =	simm.s32 $0x4E20  }
0x5: {  	s15 =	simm.s32 $0x1;
	s6 =	sand.u32 $0x1, s3;
	s7 =	smul.u32 $0x2800, s1  }
0x6: {  	s3 =	simm.s32 $0x0;
	s16 =	sshll.u32 s1, $0x6;
	s4 =	sshll.u32 s6, $0x4  }
0x7: {  	s8 =	smul.u32 $0x28000, s6;
	[smem:$0x7FF] =	sst s3;
	s6 =	ssub.s32 $0x2, s6  }
0x8: {  	s16 =	sor.u32 $0x1C02, s16;
	s4 =	sor.u32 s1, s4;
	_ =	strace $0x8000004A  }
0x9: {  	s31 =	sshrl.u32 s6, $0x1;
	s9 =	smul.u32 $0x4E2, s4;
	s8 =	sadd.s32 s7, s8  }
0xa: {  	s4 =	sadd.s32 $0x15600, s5;
	s10 =	ssub.s32 s6, s31;
	s8 =	sshrl.u32 s8, $0x3  }
0xb: {  	s9 =	sadd.s32 s9, s5;
	s8 =	sadd.s32 s8, s5;
	s5 =	sadd.s32 s7, s2  }
0xc: {  	s6 =	sadd.s32 $0x1A00, s9;
	s7 =	sadd.s32 $0xB800, s9;
	s8 =	sadd.s32 $0x1A600, s8  }
0xd: {  	v0 =	vimm.f32 $0.0e+00;
	s9 =	smax.u32 s10, $0x1;
	s10 =	simm.s32 $0x5320;
	s17 =	sshrl.u32 s5, $0x3  }
.LBB2_1:
0xe: {  	s18 =	simm.s32 $0x40;
	s19 =	simm.s32 $0x0  }
.LBB2_2:
0xf: {  	p0 =	sne.s32 s18, $0x9FC0;
	[tilespmem:s19+$0x5320] =	vst v0;
	s19 =	smov.u32 s18;
	s18 =	sadd.s32 $0x40, s18  }
.Ltmp0:
0x10: {  	(pc) =	sbr.rel @p0 .LBB2_2-.Ltmp0, $2  }
0x11: {  	_ =	sdelay $0x2  }
0x12: {  	s19 =	sshra.s32 s19, $0x2  }
0x13: {  	[tilespmem:s19+$0x5320] =	vst v0  }
0x14: {  	[spmem:s5] =	stream.linear.scatter [tilespmem:s10], [sflag:$0x2], $0x2800, $0x38;
	[tilespmem:$0xA320] =	vst v63  }
0x15: {  	_ =	swait.ge [sflag:s11], $0x2800  }
0x16: {  	[sflag:s11] =	ssyncset.done $0x0  }
0x17: {  	s18 =	simm.s32 $0x0;
	[sflag:s11] =	ssyncadd.s32 $0xFFFFD800  }
0x18: {  	[tilespmem:s18], [sflag:$0x2] =	stream.linear.gather [hbm4b:s6+s18], $0x2710, $0x38;
	[tilespmem:$0xA320] =	vst v63  }
0x19: {  	_ =	swait.ge [sflag:s11], $0x2710  }
0x1a: {  	[sflag:s11] =	ssyncset.done $0x0  }
0x1b: {  	[sflag:s11] =	ssyncadd.s32 $0xFFFFD8F0  }
0x1c: {  	[tilespmem:s12], [sflag:$0x2] =	stream.linear.gather [hbm4b:s7+s18], $0x2710, $0x38;
	[tilespmem:$0xA320] =	vst v63  }
0x1d: {  	_ =	swait.ge [sflag:s11], $0x2710  }
0x1e: {  	[sflag:s11] =	ssyncset.done $0x0  }
0x1f: {  	[sflag:s11] =	ssyncadd.s32 $0xFFFFD8F0  }
0x20: {  	s30 =	simm.s32 $0x0;
	[bflag:$0x0] =	sbarrier.arrive $0xFFFF  }
0x21: {  	[tilespmem:s14], [sflag:$0x1] =	stream.indirect.gather [hbm4b:s4+s13], $0x10, s30, s13, $0xb8;
	[tilespmem:$0xA320] =	vst v63  }
0x22: {  	_ =	swait.ge [sflag:s15], $0x500  }
0x23: {  	[sflag:s15] =	ssyncset.done $0x0  }
0x24: {  	s31 =	simm.s32 $0x2710;
	[sflag:s15] =	ssyncadd.s32 $0xFFFFFB00  }
0x25: {  	[spmem:s2] =	stream.indirect.scatter.add.f32 [tilespmem:s14], [sflag:$0x2], $0x10, s31, s13, $0xb8;
	[tilespmem:$0xA320] =	vst v63  }
0x26: {  	_ =	swait.ge [sflag:s11], $0x500  }
0x27: {  	s19 =	simm.s32 $0x280;
	s18 =	simm.s32 $0x140;
	[sflag:s11] =	ssyncset.done $0x0  }
.LBB2_4:
0x28: {  	s20 =	sshra.s32 s18, $0x2  }
0x29: {  	[sflag:s11] =	ssyncadd.s32 $0xFFFFFB00;
	s18 =	smov.u32 s19;
	s21 =	sadd.s32 $0x140, s19  }
0x2a: {  	[tilespmem:s14], [sflag:$0x1] =	stream.indirect.gather [hbm4b:s4+s13], $0x10, s20, s13, $0xb8;
	[tilespmem:$0xA320] =	vst v63  }
0x2b: {  	p0 =	sne.s32 s19, $0x9B00;
	_ =	swait.ge [sflag:s15], $0x500  }
.Ltmp1:
0x2c: {  	[sflag:s15] =	ssyncset.done $0x0;
	(pc) =	sbr.rel @p0 .LBB2_4-.Ltmp1, $4  }
0x2d: {  	s19 =	sadd.s32 $0x2710, s20;
	[sflag:s15] =	ssyncadd.s32 $0xFFFFFB00  }
0x2e: {  	[spmem:s2] =	stream.indirect.scatter.add.f32 [tilespmem:s14], [sflag:$0x2], $0x10, s19, s13, $0xb8;
	[tilespmem:$0xA320] =	vst v63  }
0x2f: {  	_ =	swait.ge [sflag:s11], $0x500  }
0x30: {  	s19 =	smov.u32 s21;
	[sflag:s11] =	ssyncset.done $0x0  }
0x31: {  	s18 =	sshra.s32 s18, $0x2;
	[sflag:s11] =	ssyncadd.s32 $0xFFFFFB00  }
0x32: {  	[tilespmem:s14], [sflag:$0x1] =	stream.indirect.gather [hbm4b:s4+s13], $0x10, s18, s13, $0xb8;
	[tilespmem:$0xA320] =	vst v63  }
0x33: {  	_ =	swait.ge [sflag:s15], $0x500  }
0x34: {  	[sflag:s15] =	ssyncset.done $0x0  }
0x35: {  	s18 =	sadd.s32 $0x2710, s18;
	[sflag:s15] =	ssyncadd.s32 $0xFFFFFB00  }
0x36: {  	[spmem:s2] =	stream.indirect.scatter.add.f32 [tilespmem:s14], [sflag:$0x2], $0x10, s18, s13, $0xb8;
	[tilespmem:$0xA320] =	vst v63  }
0x37: {  	_ =	swait.ge [sflag:s11], $0x500  }
0x38: {  	s3 =	sadd.s32 $0x1, s3;
	[sflag:s11] =	ssyncset.done $0x0  }
0x39: {  	p0 =	sne.s32 s3, s9;
	[sflag:s11] =	ssyncadd.s32 $0xFFFFFB00  }
.Ltmp2:
0x3a: {  	[bflag:$0x0] =	sbarrier.arrive $0xFFFF;
	(pc) =	sbr.rel @p0 .LBB2_1-.Ltmp2, $4  }
0x3b: {  	[hbm:s8], [sflag:s16] =	dma.local [spmem:s17], $0x500  }
0x3c: {  	_ =	swait.ge [sflag:s11], $0x500  }
0x3d: {  	[sflag:s11] =	ssyncset.done $0x0  }
0x3e: {  	[sflag:s11] =	ssyncadd.s32 $0xFFFFFB00  }
0x3f: {  	_ =	sfence.sel $0x180000  }
0x40: {  	[bflag:$0x0] =	sbarrier.arrive $0xFFFF  }
0x41: {  	p0 =	sne.s32 s1, $0x0;
	_ =	strace $0x9000004A  }
0x42: {  	s0 =	sadd.s32 @!p0 $0x100000, s0;
	[bflag:$0x2] =	sbarrier.arrive $0xFFFF  }
0x43: {  	[sflag:s0] =	ssyncadd.tile.s32 @!p0 $0x1;
	_ =	shalt  }
.Lfunc_end2:
_tile_overlayer_lowered:
.L_overlay_start_2:
0x44: {  	(tag) =	ssettag $0x2  }
0x45: {  	s0 =	rddreg [dreg:$0x0];
	s2 =	stileid.u32  }
0x46: {  	s1 =	rddreg [dreg:$0x1];
	p0 =	sne.s32 s2, $0x0  }
0x47: {  	s3 =	rddreg [dreg:$0x2];
	[bflag:$0x3] =	sbarrier.arrive $0xFFFF;
	s2 =	simm.s32 @!p0 $0x1C02  }
0x48: {  	[timem:s3], [sflag:s2] =	dma.local @!p0 [hbm:s0], s1  }
0x49: {  	s0 =	simm.s32 @!p0 $0x2  }
0x4a: {  	_ =	swait.ge @!p0 [sflag:s0], s1  }
0x4b: {  	s1 =	ssub.s32 @!p0 $0x0, s1;
	[sflag:s0] =	ssyncset.done @!p0 $0x0  }
0x4c: {  	[sflag:s0] =	ssyncadd.s32 @!p0 s1  }
0x4d: {  	[bflag:$0x3] =	sbarrier.arrive $0xFFFF  }
0x4e: {  	_ =	shalt  }

// kernel: kernel.14.cloned.1.call-start
scs
__scs_entry_jumppad:
0x0: {  	(pc) =	sbr.rel $0x88, $3  }
0x1: {  	(tag) =	ssettag $0x0;
	lr =	simm.s32 $0x1  }
0x2: {  	[smem:$0x3F99] =	sst lr;
	_ =	strace $0xD0000000  }
0x3: {  	_ = 	snop  }
0x4: {  	_ = 	snop  }
0x5: {  	_ = 	snop  }
0x6: {  	_ = 	snop  }
0x7: {  	_ = 	snop  }
__scs_overlays_trampoline_lowered:
0x8: {  	[smem:$0x3FA8] =	sst s0  }
0x9: {  	[smem:$0x3FA9] =	sst s1  }
0xa: {  	[smem:$0x3FAA] =	sst s2  }
0xb: {  	[smem:$0x3FAB] =	sst s3  }
0xc: {  	[smem:$0x3FAC] =	sst s4  }
0xd: {  	[smem:$0x3FAD] =	sst s5  }
0xe: {  	[smem:$0x3FAE] =	sst s6  }
0xf: {  	[smem:$0x3FAF] =	sst s7  }
0x10: {  	[smem:$0x3FB0] =	sst s8  }
0x11: {  	[smem:$0x3FB1] =	sst s9;
	s0 =	simm.s32 @!p0 $0x0  }
0x12: {  	s1 =	sld [smem:$0x3F97];
	s0 =	simm.s32 @p0 $0x1  }
0x13: {  	[smem:$0x3FB2] =	sst s0;
	s0 =	simm.s32 @!p1 $0x0  }
0x14: {  	s2 =	sld [smem:$0x3F96];
	s0 =	simm.s32 @p1 $0x1  }
0x15: {  	[smem:$0x3FB3] =	sst s0;
	s0 =	simm.s32 @!p2 $0x0  }
0x16: {  	s3 =	sld [smem:$0x3FDB];
	s0 =	simm.s32 @p2 $0x1  }
0x17: {  	s4 =	simm.s32 $0x1BF5;
	[smem:$0x3FB5] =	sst s0  }
0x18: {  	s0 =	sld [smem:$0x3F98];
	_ =	swait.ge [sflag:s4], $0x0  }
0x19: {  	s7 =	sld [smem:$0x3F99]  }
0x1a: {  	s8 =	sadd.s32 $0xFFFFE003, lr  }
0x1b: {  	s9 =	sadd.s32 $0xFFFFFEF7, lr;
	s5 =	simm.s32 $0xFFFFFFFF;
	p2 =	slt.u32 s8, $0xFFFFF086  }
0x1c: {  	p1 =	slt.u32 s9, $0xF7A;
	s5 =	simm.s32 @!p2 $0x0  }
0x1d: {  	s5 =	simm.s32 @p1 $0x1;
	p0 =	seq.s32 s7, s2  }
0x1e: {  	s7 =	smul.u32 @!p0 $0xF7A, s2;
	p2 =	seq.s32 @!p0 s5, $0x0  }
0x1f: {  	s9 =	smul.u32 $0xF7A, s1;
	s8 =	simm.s32 @!p0 $0x1BF5;
	p2 =	por !p2, p0  }
0x20: {  	[sflag:s8] =	ssyncset.s32 @!p0 $0xFFFFF086;
	s6 =	sadd.s32 @!p0 s3, s7;
	s7 =	simm.s32 @!p0 $0x108  }
0x21: {  	s3 =	sadd.s32 s3, s9;
	s6 =	sadd.s32 @!p0 $0x88, s6;
	s7 =	simm.s32 @p2 $0x1082  }
0x22: {  	[simem:s7], [sflag:s8] =	dma.local @!p0 [hbm:s6], $0xF7A  }
0x23: {  	s9 =	sor.u32 $0xD0000000, s2;
	s6 =	simm.s32 $0x108;
	_ =	swait.ge @!p0 [sflag:s8], $0x0  }
0x24: {  	s3 =	sadd.s32 $0x88, s3;
	s6 =	simm.s32 @!p1 $0x1082;
	[sflag:s4] =	ssyncset.s32 $0xFFFFF086  }
0x25: {  	[simem:s6], [sflag:s4] =	dma.local [hbm:s3], $0xF7A  }
0x26: {  	[smem:$0x3F99] =	sst s1;
	(tag) =	ssettag s2;
	_ =	strace s9  }
0x27: {  	s1 =	sld [smem:$0x3FA9]  }
0x28: {  	s2 =	sld [smem:$0x3FAA]  }
0x29: {  	s4 =	sld [smem:$0x3FAC]  }
0x2a: {  	p0 =	seq.s32 s5, $0x0;
	s5 =	sld [smem:$0x3FAD]  }
0x2b: {  	s6 =	sld [smem:$0x3FAE]  }
0x2c: {  	s7 =	sld [smem:$0x3FAF]  }
0x2d: {  	s3 =	simm.s32 $0x108;
	s8 =	sld [smem:$0x3FB0]  }
0x2e: {  	s3 =	simm.s32 @!p0 $0x1082;
	s9 =	sld [smem:$0x3FB1]  }
0x2f: {  	lr =	sadd.s32 s0, s3;
	s0 =	sld [smem:$0x3FA8]  }
0x30: {  	s3 =	sld [smem:$0x3FAB]  }
0x31: {  	[smem:$0x3FB4] =	sst s10  }
0x32: {  	s10 =	sld [smem:$0x3FB2];
	_ =	sdelay $0x3  }
0x33: {  	p0 =	seq.s32 s10, $0x1;
	s10 =	sld [smem:$0x3FB4];
	_ =	sdelay $0x3  }
0x34: {  	[smem:$0x3FB4] =	sst s10  }
0x35: {  	s10 =	sld [smem:$0x3FB3];
	_ =	sdelay $0x3  }
0x36: {  	p1 =	seq.s32 s10, $0x1;
	s10 =	sld [smem:$0x3FB4];
	_ =	sdelay $0x3  }
0x37: {  	[smem:$0x3FB4] =	sst s10  }
0x38: {  	s10 =	sld [smem:$0x3FB5]  }
0x39: {  	_ = 	snop;
	(pc) =	sbr.ind lr, $3  }
0x3a: {  	_ = 	snop  }
0x3b: {  	_ = 	snop  }
0x3c: {  	p2 =	seq.s32 s10, $0x1;
	s10 =	sld [smem:$0x3FB4]  }
0x3d: {  	_ =	shalt  }
0x3e: {  	_ =	shalt  }
0x3f: {  	_ =	shalt  }
0x40: {  	_ =	shalt  }
0x41: {  	_ =	shalt  }
0x42: {  	_ =	shalt  }
0x43: {  	_ =	shalt  }
0x44: {  	_ =	shalt  }
0x45: {  	_ =	shalt  }
0x46: {  	_ =	shalt  }
0x47: {  	_ =	shalt  }
0x48: {  	_ =	shalt  }
0x49: {  	_ =	shalt  }
0x4a: {  	_ =	shalt  }
0x4b: {  	_ =	shalt  }
0x4c: {  	_ =	shalt  }
0x4d: {  	_ =	shalt  }
0x4e: {  	_ =	shalt  }
0x4f: {  	_ =	shalt  }
0x50: {  	_ =	shalt  }
0x51: {  	_ =	shalt  }
0x52: {  	_ =	shalt  }
0x53: {  	_ =	shalt  }
0x54: {  	_ =	shalt  }
0x55: {  	_ =	shalt  }
0x56: {  	_ =	shalt  }
0x57: {  	_ =	shalt  }
0x58: {  	_ =	shalt  }
0x59: {  	_ =	shalt  }
0x5a: {  	_ =	shalt  }
0x5b: {  	_ =	shalt  }
0x5c: {  	_ =	shalt  }
0x5d: {  	_ =	shalt  }
0x5e: {  	_ =	shalt  }
0x5f: {  	_ =	shalt  }
0x60: {  	_ =	shalt  }
0x61: {  	_ =	shalt  }
0x62: {  	_ =	shalt  }
0x63: {  	_ =	shalt  }
0x64: {  	_ =	shalt  }
0x65: {  	_ =	shalt  }
0x66: {  	_ =	shalt  }
0x67: {  	_ =	shalt  }
0x68: {  	_ =	shalt  }
0x69: {  	_ =	shalt  }
0x6a: {  	_ =	shalt  }
0x6b: {  	_ =	shalt  }
0x6c: {  	_ =	shalt  }
0x6d: {  	_ =	shalt  }
0x6e: {  	_ =	shalt  }
0x6f: {  	_ =	shalt  }
0x70: {  	_ =	shalt  }
0x71: {  	_ =	shalt  }
0x72: {  	_ =	shalt  }
0x73: {  	_ =	shalt  }
0x74: {  	_ =	shalt  }
0x75: {  	_ =	shalt  }
0x76: {  	_ =	shalt  }
0x77: {  	_ =	shalt  }
0x78: {  	_ =	shalt  }
0x79: {  	_ =	shalt  }
0x7a: {  	_ =	shalt  }
0x7b: {  	_ =	shalt  }
0x7c: {  	_ =	shalt  }
0x7d: {  	_ =	shalt  }
0x7e: {  	_ =	shalt  }
0x7f: {  	_ =	shalt  }
0x80: {  	_ =	shalt  }
0x81: {  	_ =	shalt  }
0x82: {  	_ =	shalt  }
0x83: {  	_ =	shalt  }
0x84: {  	_ =	shalt  }
0x85: {  	_ =	shalt  }
0x86: {  	_ =	shalt  }
0x87: {  	_ =	shalt  }
.Lfunc_end0:
.L_simem_size_0:
called_computation.2_lowered:
.L_overlay_start_0:
0x88: {  	s2 =	sld [smem:$0x3FD9]  }
0x89: {  	s3 =	sld [smem:$0x3FFE];
	_ =	sdelay $0x1  }
0x8a: {  	s1 =	srdreg.scid  }
0x8b: {  	s0 =	sand.u32 $0x1, s1  }
0x8c: {  	s16 =	sshll.u32 s0, $0xA;
	s2 =	sadd.s32 s3, s2  }
0x8d: {  	s2 =	sadd.s32 s2, s16  }
0x8e: {  	[smem:$0x3FC0] =	sst s2  }
0x8f: {  	_ = 	snop  }
0x90: {  	(tm) =	ssettm $0x1  }
0x91: {  	s17 =	sld [smem:$0x3FFB];
	_ =	sdelay $0x3  }
0x92: {  	_ =	strace s17  }
0x93: {  	s2 =	sld [smem:$0x3FFC];
	_ =	sdelay $0x3  }
0x94: {  	_ =	strace s2  }
0x95: {  	s2 =	sld [smem:$0x3FFD];
	_ =	sdelay $0x3  }
0x96: {  	_ =	strace s2  }
0x97: {  	_ =	strace $0x8FFFFFFF  }
0x98: {  	s18 =	sld [smem:$0x3FDB];
	_ =	sdelay $0x1  }
0x99: {  	s19 =	simm.s32 $_scs_section_size  }
0x9a: {  	s4 =	simm.s32 $_size__tile_overlayer_lowered;
	s5 =	simm.s32 $_tile_overlayer_lowered  }
0x9b: {  	s22 =	simm.s32 $0x1BFF;
	s21 =	sshll.u32 s5, $0x1;
	s2 =	sadd.s32 s19, s18  }
0x9c: {  	s6 =	simm.s32 $0x0;
	s20 =	sshll.u32 s4, $0x1;
	s4 =	sadd.s32 s21, s2  }
0x9d: {  	[timem:s6], [sflag:s22] =	dma.local [hbm:s4], s20  }
0x9e: {  	_ =	swait.ge [sflag:s22], s20  }
0x9f: {  	s3 =	ssub.s32 $0x0, s20;
	[sflag:s22] =	ssyncset.done $0x0  }
0xa0: {  	[sflag:s22] =	ssyncadd.s32 s3;
	_ =	sdelay $0x1  }
0xa1: {  	s23 =	simm.s32 $0x1B8B  }
0xa2: {  	_ =	swait.ge [sflag:s23], $0x1  }
0xa3: {  	[sflag:s23] =	ssyncset.done $0x0  }
0xa4: {  	s25 =	simm.s32 $0x1B8E;
	s24 =	sld [smem:$0x3FFE];
	[sflag:s23] =	ssyncadd.s32 $0xFFFFFFFF  }
0xa5: {  	s26 =	simm.s32 $execute0_lowered;
	[smem:$0x3FD2] =	sst s25  }
0xa6: {  	s4 =	sshll.u32 s26, $0x1;
	_ =	strace $0x8000004C;
	[dreg:$0x1] =	wrdreg $0xFFFFFFFF  }
0xa7: {  	s28 =	simm.s32 $_size_execute0_lowered;
	s2 =	sadd.s32 s2, s4;
	[dreg:$0x0] =	wrdreg $0x0  }
0xa8: {  	s4 =	sshll.u32 s28, $0x1;
	[dreg:$0x2] =	wrdreg s2  }
0xa9: {  	[dreg:$0x3] =	wrdreg s4  }
0xaa: {  	[dreg:$0x4] =	wrdreg $0xC0  }
0xab: {  	_ =	task [dreg:s6], $0x5FFFF  }
0xac: {  	[dreg:$0x1] =	wrdreg $0xFFFFFFFF  }
0xad: {  	[dreg:$0x0] =	wrdreg $0x60  }
0xae: {  	[dreg:$0x2] =	wrdreg s24  }
0xaf: {  	[dreg:$0x3] =	wrdreg $0x7B200  }
0xb0: {  	[dreg:$0x4] =	wrdreg $0x9  }
0xb1: {  	_ =	task.clear_ibuf [dreg:s6], $0x5FFFF;
	_ =	strace $0x9000004C  }
0xb2: {  	s29 =	simm.s32 $0x9;
	_ =	strace $0x8000004E  }
0xb3: {  	_ =	swait.ge [sflag:s29], $0x1  }
0xb4: {  	[sflag:s29] =	ssyncadd.s32 $0xFFFFFFFF  }
0xb5: {  	_ =	strace $0x9000004E  }
0xb6: {  	_ =	sfence  }
0xb7: {  	s30 =	sld [smem:$0x0];
	_ =	sdelay $0x2  }
0xb8: {  	s31 =	sshll.u32 s1, $0xD;
	s1 =	sshrl.u32 s1, $0x2  }
0xb9: {  	s3 =	sand.u32 $0x4000, s31;
	s1 =	sadd.s32 s1, s30  }
0xba: {  	s0 =	sor.u32 s3, s0;
	s1 =	sshll.u32 s1, $0x11  }
0xbb: {  	s0 =	sor.u32 s1, s0  }
0xbc: {  	s0 =	sadd.s32 $0x8F2B, s0  }
0xbd: {  	[sflag:s0] =	ssyncadd.remote.s32 $0x1  }
0xbe: {  	_ =	sfence.sel $0xFFFF  }
0xbf: {  	[dreg:$0x0] =	wrdreg $0xFFFFFFFF;
	(pc) =	sbr.abs _section_cstart, $3  }
0xc0: {  	[dreg:$0x1] =	wrdreg $0xFFFFFFFF  }
0xc1: {  	_ =	task.clear_ibuf [dreg:s6], $0x2FFFF;
	_ =	strace $0x9FFFFFFF  }
0xc2: {  	(tm) =	ssettm $0x7FFFFFFF  }
0xc3: {  	_ =	shalt  }
tec
execute0_lowered:
.L_overlay_start_1:
0x0: {  	(tag) =	ssettag $0x1  }
0x1: {  	s5 =	rddreg [dreg:$0x0]  }
0x2: {  	s2 =	rddreg [dreg:$0x1];
	s3 =	srdreg.scid  }
0x3: {  	s1 =	stileid.u32;
	s0 =	rddreg [dreg:$0x2];
	s11 =	simm.s32 $0x2  }
0x4: {  	s12 =	simm.s32 $0x2710;
	s13 =	simm.s32 $0x50;
	s14 =	simm.s32 $0x4E20  }
0x5: {  	s15 =	simm.s32 $0x1;
	s6 =	sand.u32 $0x1, s3;
	s7 =	smul.u32 $0x2800, s1  }
0x6: {  	s3 =	simm.s32 $0x0;
	s16 =	sshll.u32 s1, $0x6;
	s4 =	sshll.u32 s6, $0x4  }
0x7: {  	s8 =	smul.u32 $0x28000, s6;
	[smem:$0x7FF] =	sst s3;
	s6 =	ssub.s32 $0x2, s6  }
0x8: {  	s16 =	sor.u32 $0x1C02, s16;
	s4 =	sor.u32 s1, s4;
	_ =	strace $0x8000004D  }
0x9: {  	s31 =	sshrl.u32 s6, $0x1;
	s9 =	smul.u32 $0x4E2, s4;
	s8 =	sadd.s32 s7, s8  }
0xa: {  	s4 =	sadd.s32 $0x15600, s5;
	s10 =	ssub.s32 s6, s31;
	s8 =	sshrl.u32 s8, $0x3  }
0xb: {  	s9 =	sadd.s32 s9, s5;
	s8 =	sadd.s32 s8, s5;
	s5 =	sadd.s32 s7, s2  }
0xc: {  	s6 =	sadd.s32 $0x1A00, s9;
	s7 =	sadd.s32 $0xB800, s9;
	s8 =	sadd.s32 $0x1A600, s8  }
0xd: {  	v0 =	vimm.f32 $0.0e+00;
	s9 =	smax.u32 s10, $0x1;
	s10 =	simm.s32 $0x5320;
	s17 =	sshrl.u32 s5, $0x3  }
.LBB2_1:
0xe: {  	s18 =	simm.s32 $0x40;
	s19 =	simm.s32 $0x0  }
.LBB2_2:
0xf: {  	p0 =	sne.s32 s18, $0x9FC0;
	[tilespmem:s19+$0x5320] =	vst v0;
	s19 =	smov.u32 s18;
	s18 =	sadd.s32 $0x40, s18  }
.Ltmp0:
0x10: {  	(pc) =	sbr.rel @p0 .LBB2_2-.Ltmp0, $2  }
0x11: {  	_ =	sdelay $0x2  }
0x12: {  	s19 =	sshra.s32 s19, $0x2  }
0x13: {  	[tilespmem:s19+$0x5320] =	vst v0  }
0x14: {  	[spmem:s5] =	stream.linear.scatter [tilespmem:s10], [sflag:$0x2], $0x2800, $0x38;
	[tilespmem:$0xA320] =	vst v63  }
0x15: {  	_ =	swait.ge [sflag:s11], $0x2800  }
0x16: {  	[sflag:s11] =	ssyncset.done $0x0  }
0x17: {  	s18 =	simm.s32 $0x0;
	[sflag:s11] =	ssyncadd.s32 $0xFFFFD800  }
0x18: {  	[tilespmem:s18], [sflag:$0x2] =	stream.linear.gather [hbm4b:s6+s18], $0x2710, $0x38;
	[tilespmem:$0xA320] =	vst v63  }
0x19: {  	_ =	swait.ge [sflag:s11], $0x2710  }
0x1a: {  	[sflag:s11] =	ssyncset.done $0x0  }
0x1b: {  	[sflag:s11] =	ssyncadd.s32 $0xFFFFD8F0  }
0x1c: {  	[tilespmem:s12], [sflag:$0x2] =	stream.linear.gather [hbm4b:s7+s18], $0x2710, $0x38;
	[tilespmem:$0xA320] =	vst v63  }
0x1d: {  	_ =	swait.ge [sflag:s11], $0x2710  }
0x1e: {  	[sflag:s11] =	ssyncset.done $0x0  }
0x1f: {  	[sflag:s11] =	ssyncadd.s32 $0xFFFFD8F0  }
0x20: {  	s30 =	simm.s32 $0x0;
	[bflag:$0x0] =	sbarrier.arrive $0xFFFF  }
0x21: {  	[tilespmem:s14], [sflag:$0x1] =	stream.indirect.gather [hbm4b:s4+s13], $0x10, s30, s13, $0xb8;
	[tilespmem:$0xA320] =	vst v63  }
0x22: {  	_ =	swait.ge [sflag:s15], $0x500  }
0x23: {  	[sflag:s15] =	ssyncset.done $0x0  }
0x24: {  	s31 =	simm.s32 $0x2710;
	[sflag:s15] =	ssyncadd.s32 $0xFFFFFB00  }
0x25: {  	[spmem:s2] =	stream.indirect.scatter.add.f32 [tilespmem:s14], [sflag:$0x2], $0x10, s31, s13, $0xb8;
	[tilespmem:$0xA320] =	vst v63  }
0x26: {  	_ =	swait.ge [sflag:s11], $0x500  }
0x27: {  	s19 =	simm.s32 $0x280;
	s18 =	simm.s32 $0x140;
	[sflag:s11] =	ssyncset.done $0x0  }
.LBB2_4:
0x28: {  	s20 =	sshra.s32 s18, $0x2  }
0x29: {  	[sflag:s11] =	ssyncadd.s32 $0xFFFFFB00;
	s18 =	smov.u32 s19;
	s21 =	sadd.s32 $0x140, s19  }
0x2a: {  	[tilespmem:s14], [sflag:$0x1] =	stream.indirect.gather [hbm4b:s4+s13], $0x10, s20, s13, $0xb8;
	[tilespmem:$0xA320] =	vst v63  }
0x2b: {  	p0 =	sne.s32 s19, $0x9B00;
	_ =	swait.ge [sflag:s15], $0x500  }
.Ltmp1:
0x2c: {  	[sflag:s15] =	ssyncset.done $0x0;
	(pc) =	sbr.rel @p0 .LBB2_4-.Ltmp1, $4  }
0x2d: {  	s19 =	sadd.s32 $0x2710, s20;
	[sflag:s15] =	ssyncadd.s32 $0xFFFFFB00  }
0x2e: {  	[spmem:s2] =	stream.indirect.scatter.add.f32 [tilespmem:s14], [sflag:$0x2], $0x10, s19, s13, $0xb8;
	[tilespmem:$0xA320] =	vst v63  }
0x2f: {  	_ =	swait.ge [sflag:s11], $0x500  }
0x30: {  	s19 =	smov.u32 s21;
	[sflag:s11] =	ssyncset.done $0x0  }
0x31: {  	s18 =	sshra.s32 s18, $0x2;
	[sflag:s11] =	ssyncadd.s32 $0xFFFFFB00  }
0x32: {  	[tilespmem:s14], [sflag:$0x1] =	stream.indirect.gather [hbm4b:s4+s13], $0x10, s18, s13, $0xb8;
	[tilespmem:$0xA320] =	vst v63  }
0x33: {  	_ =	swait.ge [sflag:s15], $0x500  }
0x34: {  	[sflag:s15] =	ssyncset.done $0x0  }
0x35: {  	s18 =	sadd.s32 $0x2710, s18;
	[sflag:s15] =	ssyncadd.s32 $0xFFFFFB00  }
0x36: {  	[spmem:s2] =	stream.indirect.scatter.add.f32 [tilespmem:s14], [sflag:$0x2], $0x10, s18, s13, $0xb8;
	[tilespmem:$0xA320] =	vst v63  }
0x37: {  	_ =	swait.ge [sflag:s11], $0x500  }
0x38: {  	s3 =	sadd.s32 $0x1, s3;
	[sflag:s11] =	ssyncset.done $0x0  }
0x39: {  	p0 =	sne.s32 s3, s9;
	[sflag:s11] =	ssyncadd.s32 $0xFFFFFB00  }
.Ltmp2:
0x3a: {  	[bflag:$0x0] =	sbarrier.arrive $0xFFFF;
	(pc) =	sbr.rel @p0 .LBB2_1-.Ltmp2, $4  }
0x3b: {  	[hbm:s8], [sflag:s16] =	dma.local [spmem:s17], $0x500  }
0x3c: {  	_ =	swait.ge [sflag:s11], $0x500  }
0x3d: {  	[sflag:s11] =	ssyncset.done $0x0  }
0x3e: {  	[sflag:s11] =	ssyncadd.s32 $0xFFFFFB00  }
0x3f: {  	_ =	sfence.sel $0x180000  }
0x40: {  	[bflag:$0x0] =	sbarrier.arrive $0xFFFF  }
0x41: {  	p0 =	sne.s32 s1, $0x0;
	_ =	strace $0x9000004D  }
0x42: {  	s0 =	sadd.s32 @!p0 $0x100000, s0;
	[bflag:$0x2] =	sbarrier.arrive $0xFFFF  }
0x43: {  	[sflag:s0] =	ssyncadd.tile.s32 @!p0 $0x1;
	_ =	shalt  }
.Lfunc_end2:
_tile_overlayer_lowered:
.L_overlay_start_2:
0x44: {  	(tag) =	ssettag $0x2  }
0x45: {  	s0 =	rddreg [dreg:$0x0];
	s2 =	stileid.u32  }
0x46: {  	s1 =	rddreg [dreg:$0x1];
	p0 =	sne.s32 s2, $0x0  }
0x47: {  	s3 =	rddreg [dreg:$0x2];
	[bflag:$0x3] =	sbarrier.arrive $0xFFFF;
	s2 =	simm.s32 @!p0 $0x1C02  }
0x48: {  	[timem:s3], [sflag:s2] =	dma.local @!p0 [hbm:s0], s1  }
0x49: {  	s0 =	simm.s32 @!p0 $0x2  }
0x4a: {  	_ =	swait.ge @!p0 [sflag:s0], s1  }
0x4b: {  	s1 =	ssub.s32 @!p0 $0x0, s1;
	[sflag:s0] =	ssyncset.done @!p0 $0x0  }
0x4c: {  	[sflag:s0] =	ssyncadd.s32 @!p0 s1  }
0x4d: {  	[bflag:$0x3] =	sbarrier.arrive $0xFFFF  }
0x4e: {  	_ =	shalt  }

// kernel: kernel.8.cloned.1.call-start
scs
__scs_entry_jumppad:
0x0: {  	(pc) =	sbr.rel $0x88, $3  }
0x1: {  	(tag) =	ssettag $0x0;
	lr =	simm.s32 $0x1  }
0x2: {  	[smem:$0x3F99] =	sst lr;
	_ =	strace $0xD0000000  }
0x3: {  	_ = 	snop  }
0x4: {  	_ = 	snop  }
0x5: {  	_ = 	snop  }
0x6: {  	_ = 	snop  }
0x7: {  	_ = 	snop  }
__scs_overlays_trampoline_lowered:
0x8: {  	[smem:$0x3FA8] =	sst s0  }
0x9: {  	[smem:$0x3FA9] =	sst s1  }
0xa: {  	[smem:$0x3FAA] =	sst s2  }
0xb: {  	[smem:$0x3FAB] =	sst s3  }
0xc: {  	[smem:$0x3FAC] =	sst s4  }
0xd: {  	[smem:$0x3FAD] =	sst s5  }
0xe: {  	[smem:$0x3FAE] =	sst s6  }
0xf: {  	[smem:$0x3FAF] =	sst s7  }
0x10: {  	[smem:$0x3FB0] =	sst s8  }
0x11: {  	[smem:$0x3FB1] =	sst s9;
	s0 =	simm.s32 @!p0 $0x0  }
0x12: {  	s1 =	sld [smem:$0x3F97];
	s0 =	simm.s32 @p0 $0x1  }
0x13: {  	[smem:$0x3FB2] =	sst s0;
	s0 =	simm.s32 @!p1 $0x0  }
0x14: {  	s2 =	sld [smem:$0x3F96];
	s0 =	simm.s32 @p1 $0x1  }
0x15: {  	[smem:$0x3FB3] =	sst s0;
	s0 =	simm.s32 @!p2 $0x0  }
0x16: {  	s3 =	sld [smem:$0x3FDB];
	s0 =	simm.s32 @p2 $0x1  }
0x17: {  	s4 =	simm.s32 $0x1BF5;
	[smem:$0x3FB5] =	sst s0  }
0x18: {  	s0 =	sld [smem:$0x3F98];
	_ =	swait.ge [sflag:s4], $0x0  }
0x19: {  	s7 =	sld [smem:$0x3F99]  }
0x1a: {  	s8 =	sadd.s32 $0xFFFFE003, lr  }
0x1b: {  	s9 =	sadd.s32 $0xFFFFFEF7, lr;
	s5 =	simm.s32 $0xFFFFFFFF;
	p2 =	slt.u32 s8, $0xFFFFF086  }
0x1c: {  	p1 =	slt.u32 s9, $0xF7A;
	s5 =	simm.s32 @!p2 $0x0  }
0x1d: {  	s5 =	simm.s32 @p1 $0x1;
	p0 =	seq.s32 s7, s2  }
0x1e: {  	s7 =	smul.u32 @!p0 $0xF7A, s2;
	p2 =	seq.s32 @!p0 s5, $0x0  }
0x1f: {  	s9 =	smul.u32 $0xF7A, s1;
	s8 =	simm.s32 @!p0 $0x1BF5;
	p2 =	por !p2, p0  }
0x20: {  	[sflag:s8] =	ssyncset.s32 @!p0 $0xFFFFF086;
	s6 =	sadd.s32 @!p0 s3, s7;
	s7 =	simm.s32 @!p0 $0x108  }
0x21: {  	s3 =	sadd.s32 s3, s9;
	s6 =	sadd.s32 @!p0 $0x88, s6;
	s7 =	simm.s32 @p2 $0x1082  }
0x22: {  	[simem:s7], [sflag:s8] =	dma.local @!p0 [hbm:s6], $0xF7A  }
0x23: {  	s9 =	sor.u32 $0xD0000000, s2;
	s6 =	simm.s32 $0x108;
	_ =	swait.ge @!p0 [sflag:s8], $0x0  }
0x24: {  	s3 =	sadd.s32 $0x88, s3;
	s6 =	simm.s32 @!p1 $0x1082;
	[sflag:s4] =	ssyncset.s32 $0xFFFFF086  }
0x25: {  	[simem:s6], [sflag:s4] =	dma.local [hbm:s3], $0xF7A  }
0x26: {  	[smem:$0x3F99] =	sst s1;
	(tag) =	ssettag s2;
	_ =	strace s9  }
0x27: {  	s1 =	sld [smem:$0x3FA9]  }
0x28: {  	s2 =	sld [smem:$0x3FAA]  }
0x29: {  	s4 =	sld [smem:$0x3FAC]  }
0x2a: {  	p0 =	seq.s32 s5, $0x0;
	s5 =	sld [smem:$0x3FAD]  }
0x2b: {  	s6 =	sld [smem:$0x3FAE]  }
0x2c: {  	s7 =	sld [smem:$0x3FAF]  }
0x2d: {  	s3 =	simm.s32 $0x108;
	s8 =	sld [smem:$0x3FB0]  }
0x2e: {  	s3 =	simm.s32 @!p0 $0x1082;
	s9 =	sld [smem:$0x3FB1]  }
0x2f: {  	lr =	sadd.s32 s0, s3;
	s0 =	sld [smem:$0x3FA8]  }
0x30: {  	s3 =	sld [smem:$0x3FAB]  }
0x31: {  	[smem:$0x3FB4] =	sst s10  }
0x32: {  	s10 =	sld [smem:$0x3FB2];
	_ =	sdelay $0x3  }
0x33: {  	p0 =	seq.s32 s10, $0x1;
	s10 =	sld [smem:$0x3FB4];
	_ =	sdelay $0x3  }
0x34: {  	[smem:$0x3FB4] =	sst s10  }
0x35: {  	s10 =	sld [smem:$0x3FB3];
	_ =	sdelay $0x3  }
0x36: {  	p1 =	seq.s32 s10, $0x1;
	s10 =	sld [smem:$0x3FB4];
	_ =	sdelay $0x3  }
0x37: {  	[smem:$0x3FB4] =	sst s10  }
0x38: {  	s10 =	sld [smem:$0x3FB5]  }
0x39: {  	_ = 	snop;
	(pc) =	sbr.ind lr, $3  }
0x3a: {  	_ = 	snop  }
0x3b: {  	_ = 	snop  }
0x3c: {  	p2 =	seq.s32 s10, $0x1;
	s10 =	sld [smem:$0x3FB4]  }
0x3d: {  	_ =	shalt  }
0x3e: {  	_ =	shalt  }
0x3f: {  	_ =	shalt  }
0x40: {  	_ =	shalt  }
0x41: {  	_ =	shalt  }
0x42: {  	_ =	shalt  }
0x43: {  	_ =	shalt  }
0x44: {  	_ =	shalt  }
0x45: {  	_ =	shalt  }
0x46: {  	_ =	shalt  }
0x47: {  	_ =	shalt  }
0x48: {  	_ =	shalt  }
0x49: {  	_ =	shalt  }
0x4a: {  	_ =	shalt  }
0x4b: {  	_ =	shalt  }
0x4c: {  	_ =	shalt  }
0x4d: {  	_ =	shalt  }
0x4e: {  	_ =	shalt  }
0x4f: {  	_ =	shalt  }
0x50: {  	_ =	shalt  }
0x51: {  	_ =	shalt  }
0x52: {  	_ =	shalt  }
0x53: {  	_ =	shalt  }
0x54: {  	_ =	shalt  }
0x55: {  	_ =	shalt  }
0x56: {  	_ =	shalt  }
0x57: {  	_ =	shalt  }
0x58: {  	_ =	shalt  }
0x59: {  	_ =	shalt  }
0x5a: {  	_ =	shalt  }
0x5b: {  	_ =	shalt  }
0x5c: {  	_ =	shalt  }
0x5d: {  	_ =	shalt  }
0x5e: {  	_ =	shalt  }
0x5f: {  	_ =	shalt  }
0x60: {  	_ =	shalt  }
0x61: {  	_ =	shalt  }
0x62: {  	_ =	shalt  }
0x63: {  	_ =	shalt  }
0x64: {  	_ =	shalt  }
0x65: {  	_ =	shalt  }
0x66: {  	_ =	shalt  }
0x67: {  	_ =	shalt  }
0x68: {  	_ =	shalt  }
0x69: {  	_ =	shalt  }
0x6a: {  	_ =	shalt  }
0x6b: {  	_ =	shalt  }
0x6c: {  	_ =	shalt  }
0x6d: {  	_ =	shalt  }
0x6e: {  	_ =	shalt  }
0x6f: {  	_ =	shalt  }
0x70: {  	_ =	shalt  }
0x71: {  	_ =	shalt  }
0x72: {  	_ =	shalt  }
0x73: {  	_ =	shalt  }
0x74: {  	_ =	shalt  }
0x75: {  	_ =	shalt  }
0x76: {  	_ =	shalt  }
0x77: {  	_ =	shalt  }
0x78: {  	_ =	shalt  }
0x79: {  	_ =	shalt  }
0x7a: {  	_ =	shalt  }
0x7b: {  	_ =	shalt  }
0x7c: {  	_ =	shalt  }
0x7d: {  	_ =	shalt  }
0x7e: {  	_ =	shalt  }
0x7f: {  	_ =	shalt  }
0x80: {  	_ =	shalt  }
0x81: {  	_ =	shalt  }
0x82: {  	_ =	shalt  }
0x83: {  	_ =	shalt  }
0x84: {  	_ =	shalt  }
0x85: {  	_ =	shalt  }
0x86: {  	_ =	shalt  }
0x87: {  	_ =	shalt  }
.Lfunc_end0:
.L_simem_size_0:
called_computation_lowered:
.L_overlay_start_0:
0x88: {  	s2 =	sld [smem:$0x3FD9]  }
0x89: {  	s3 =	sld [smem:$0x3FFE];
	_ =	sdelay $0x1  }
0x8a: {  	s1 =	srdreg.scid  }
0x8b: {  	s0 =	sand.u32 $0x1, s1  }
0x8c: {  	s16 =	sshll.u32 s0, $0xA;
	s2 =	sadd.s32 s3, s2  }
0x8d: {  	s2 =	sadd.s32 s2, s16  }
0x8e: {  	[smem:$0x3FC0] =	sst s2  }
0x8f: {  	_ = 	snop  }
0x90: {  	(tm) =	ssettm $0x1  }
0x91: {  	s17 =	sld [smem:$0x3FFB];
	_ =	sdelay $0x3  }
0x92: {  	_ =	strace s17  }
0x93: {  	s2 =	sld [smem:$0x3FFC];
	_ =	sdelay $0x3  }
0x94: {  	_ =	strace s2  }
0x95: {  	s2 =	sld [smem:$0x3FFD];
	_ =	sdelay $0x3  }
0x96: {  	_ =	strace s2  }
0x97: {  	_ =	strace $0x8FFFFFFF  }
0x98: {  	s18 =	sld [smem:$0x3FDB];
	_ =	sdelay $0x1  }
0x99: {  	s19 =	simm.s32 $_scs_section_size  }
0x9a: {  	s4 =	simm.s32 $_size__tile_overlayer_lowered;
	s5 =	simm.s32 $_tile_overlayer_lowered  }
0x9b: {  	s22 =	simm.s32 $0x1BFF;
	s21 =	sshll.u32 s5, $0x1;
	s2 =	sadd.s32 s19, s18  }
0x9c: {  	s6 =	simm.s32 $0x0;
	s20 =	sshll.u32 s4, $0x1;
	s4 =	sadd.s32 s21, s2  }
0x9d: {  	[timem:s6], [sflag:s22] =	dma.local [hbm:s4], s20  }
0x9e: {  	_ =	swait.ge [sflag:s22], s20  }
0x9f: {  	s3 =	ssub.s32 $0x0, s20;
	[sflag:s22] =	ssyncset.done $0x0  }
0xa0: {  	[sflag:s22] =	ssyncadd.s32 s3;
	_ =	sdelay $0x1  }
0xa1: {  	s23 =	simm.s32 $0x1B8B  }
0xa2: {  	_ =	swait.ge [sflag:s23], $0x1  }
0xa3: {  	[sflag:s23] =	ssyncset.done $0x0  }
0xa4: {  	s25 =	simm.s32 $0x1B8E;
	s24 =	sld [smem:$0x3FFE];
	[sflag:s23] =	ssyncadd.s32 $0xFFFFFFFF  }
0xa5: {  	s26 =	simm.s32 $execute0_lowered;
	[smem:$0x3FD2] =	sst s25  }
0xa6: {  	s4 =	sshll.u32 s26, $0x1;
	_ =	strace $0x80000046;
	[dreg:$0x1] =	wrdreg $0xFFFFFFFF  }
0xa7: {  	s28 =	simm.s32 $_size_execute0_lowered;
	s2 =	sadd.s32 s2, s4;
	[dreg:$0x0] =	wrdreg $0x0  }
0xa8: {  	s4 =	sshll.u32 s28, $0x1;
	[dreg:$0x2] =	wrdreg s2  }
0xa9: {  	[dreg:$0x3] =	wrdreg s4  }
0xaa: {  	[dreg:$0x4] =	wrdreg $0xC0  }
0xab: {  	_ =	task [dreg:s6], $0x5FFFF  }
0xac: {  	[dreg:$0x1] =	wrdreg $0xFFFFFFFF  }
0xad: {  	[dreg:$0x0] =	wrdreg $0x60  }
0xae: {  	[dreg:$0x2] =	wrdreg s24  }
0xaf: {  	[dreg:$0x3] =	wrdreg $0x54100  }
0xb0: {  	[dreg:$0x4] =	wrdreg $0x9  }
0xb1: {  	_ =	task.clear_ibuf [dreg:s6], $0x5FFFF;
	_ =	strace $0x90000046  }
0xb2: {  	s29 =	simm.s32 $0x9;
	_ =	strace $0x80000048  }
0xb3: {  	_ =	swait.ge [sflag:s29], $0x1  }
0xb4: {  	[sflag:s29] =	ssyncadd.s32 $0xFFFFFFFF  }
0xb5: {  	_ =	strace $0x90000048  }
0xb6: {  	_ =	sfence  }
0xb7: {  	s30 =	sld [smem:$0x0];
	_ =	sdelay $0x2  }
0xb8: {  	s31 =	sshll.u32 s1, $0xD;
	s1 =	sshrl.u32 s1, $0x2  }
0xb9: {  	s3 =	sand.u32 $0x4000, s31;
	s1 =	sadd.s32 s1, s30  }
0xba: {  	s0 =	sor.u32 s3, s0;
	s1 =	sshll.u32 s1, $0x11  }
0xbb: {  	s0 =	sor.u32 s1, s0  }
0xbc: {  	s0 =	sadd.s32 $0x8F2B, s0  }
0xbd: {  	[sflag:s0] =	ssyncadd.remote.s32 $0x1  }
0xbe: {  	_ =	sfence.sel $0xFFFF  }
0xbf: {  	[dreg:$0x0] =	wrdreg $0xFFFFFFFF;
	(pc) =	sbr.abs _section_cstart, $3  }
0xc0: {  	[dreg:$0x1] =	wrdreg $0xFFFFFFFF  }
0xc1: {  	_ =	task.clear_ibuf [dreg:s6], $0x2FFFF;
	_ =	strace $0x9FFFFFFF  }
0xc2: {  	(tm) =	ssettm $0x7FFFFFFF  }
0xc3: {  	_ =	shalt  }
tec
execute0_lowered:
.L_overlay_start_1:
0x0: {  	(tag) =	ssettag $0x1  }
0x1: {  	s1 =	srdreg.scid;
	s4 =	rddreg [dreg:$0x0]  }
0x2: {  	s0 =	stileid.u32;
	s2 =	rddreg [dreg:$0x1];
	s3 =	simm.s32 $0x0  }
0x3: {  	s10 =	simm.s32 $0x50;
	s5 =	sand.u32 $0x1, s1;
	s1 =	rddreg [dreg:$0x2]  }
0x4: {  	s11 =	simm.s32 $0x2710;
	s6 =	smul.u32 $0x2800, s0;
	[smem:$0x7FF] =	sst s3  }
0x5: {  	s12 =	sshll.u32 s0, $0x6;
	s7 =	sshll.u32 s5, $0x4;
	s8 =	smul.u32 $0x28000, s5  }
0x6: {  	_ =	strace $0x80000047;
	s5 =	ssub.s32 $0x2, s5;
	s7 =	sor.u32 s0, s7  }
0x7: {  	s31 =	sshrl.u32 s5, $0x1;
	s7 =	smul.u32 $0x4E2, s7;
	s8 =	sadd.s32 s6, s8  }
0x8: {  	s12 =	sor.u32 $0x1C01, s12;
	s9 =	ssub.s32 s5, s31;
	s8 =	sshrl.u32 s8, $0x3  }
0x9: {  	s7 =	sadd.s32 s7, s4;
	s8 =	sadd.s32 s8, s4;
	s4 =	sadd.s32 s6, s2  }
0xa: {  	s5 =	sadd.s32 $0xB800, s7;
	s6 =	sadd.s32 $0x15600, s8;
	s7 =	smax.u32 s9, $0x1  }
0xb: {  	v0 =	vimm.f32 $0.0e+00;
	v1 =	vimm.f32 $1.000000000e+00;
	s8 =	simm.s32 $0x2C10;
	s9 =	simm.s32 $0x1;
	s13 =	sshrl.u32 s4, $0x3  }
.LBB2_1:
0xc: {  	s14 =	simm.s32 $0x0  }
.LBB2_2:
0xd: {  	p0 =	sne.s32 s14, $0x9FC0  }
.Ltmp0:
0xe: {  	_ = 	snop;
	(pc) =	sbr.rel @p0 .LBB2_2-.Ltmp0, $3  }
0xf: {  	_ =	sdelay $0x1  }
0x10: {  	s15 =	sshra.s32 s14, $0x2  }
0x11: {  	s14 =	sadd.s32 $0x40, s14;
	[tilespmem:s15+$0x2C10] =	vst v0  }
0x12: {  	s14 =	simm.s32 $0x40;
	s15 =	simm.s32 $0x0  }
.LBB2_4:
0x13: {  	p0 =	sne.s32 s14, $0x13C0;
	[tilespmem:s15+$0x2710] =	vst v1;
	s15 =	smov.u32 s14;
	s14 =	sadd.s32 $0x40, s14  }
.Ltmp1:
0x14: {  	(pc) =	sbr.rel @p0 .LBB2_4-.Ltmp1, $2  }
0x15: {  	_ =	sdelay $0x2  }
0x16: {  	s15 =	sshra.s32 s15, $0x2  }
0x17: {  	[tilespmem:s15+$0x2710] =	vst v1  }
0x18: {  	[spmem:s4] =	stream.linear.scatter [tilespmem:s8], [sflag:$0x1], $0x2800, $0x38;
	[tilespmem:$0x7C10] =	vst v63  }
0x19: {  	_ =	swait.ge [sflag:s9], $0x2800  }
0x1a: {  	[sflag:s9] =	ssyncset.done $0x0  }
0x1b: {  	s14 =	simm.s32 $0x0;
	[sflag:s9] =	ssyncadd.s32 $0xFFFFD800  }
0x1c: {  	[tilespmem:s14], [sflag:$0x1] =	stream.linear.gather [hbm4b:s5+s14], $0x2710, $0x38;
	[tilespmem:$0x7C10] =	vst v63  }
0x1d: {  	_ =	swait.ge [sflag:s9], $0x2710  }
0x1e: {  	[sflag:s9] =	ssyncset.done $0x0  }
0x1f: {  	[sflag:s9] =	ssyncadd.s32 $0xFFFFD8F0  }
0x20: {  	s31 =	simm.s32 $0x0;
	[bflag:$0x0] =	sbarrier.arrive $0xFFFF  }
0x21: {  	[spmem:s2] =	stream.indirect.scatter.add.f32 [tilespmem:s11], [sflag:$0x1], $0x10, s31, s10, $0xb8;
	[tilespmem:$0x7C10] =	vst v63  }
0x22: {  	_ =	swait.ge [sflag:s9], $0x500  }
0x23: {  	s14 =	simm.s32 $0x140;
	[sflag:s9] =	ssyncset.done $0x0  }
.LBB2_6:
0x24: {  	s15 =	sshra.s32 s14, $0x2;
	[sflag:s9] =	ssyncadd.s32 $0xFFFFFB00;
	p0 =	sne.s32 s14, $0x9B00  }
0x25: {  	[spmem:s2] =	stream.indirect.scatter.add.f32 [tilespmem:s11], [sflag:$0x1], $0x10, s15, s10, $0xb8;
	[tilespmem:$0x7C10] =	vst v63  }
.Ltmp2:
0x26: {  	_ = 	snop;
	(pc) =	sbr.rel @p0 .LBB2_6-.Ltmp2, $4  }
0x27: {  	_ = 	snop  }
0x28: {  	s14 =	sadd.s32 $0x140, s14  }
0x29: {  	_ =	swait.ge [sflag:s9], $0x500  }
0x2a: {  	[sflag:s9] =	ssyncset.done $0x0  }
0x2b: {  	s3 =	sadd.s32 $0x1, s3  }
0x2c: {  	[sflag:s9] =	ssyncadd.s32 $0xFFFFFB00;
	p0 =	sne.s32 s3, s7  }
.Ltmp3:
0x2d: {  	[bflag:$0x0] =	sbarrier.arrive $0xFFFF;
	(pc) =	sbr.rel @p0 .LBB2_1-.Ltmp3, $4  }
0x2e: {  	[hbm:s6], [sflag:s12] =	dma.local [spmem:s13], $0x500  }
0x2f: {  	_ =	swait.ge [sflag:s9], $0x500  }
0x30: {  	[sflag:s9] =	ssyncset.done $0x0  }
0x31: {  	[sflag:s9] =	ssyncadd.s32 $0xFFFFFB00  }
0x32: {  	_ =	sfence.sel $0x180000  }
0x33: {  	[bflag:$0x0] =	sbarrier.arrive $0xFFFF  }
0x34: {  	p0 =	sne.s32 s0, $0x0;
	_ =	strace $0x90000047  }
0x35: {  	s0 =	sadd.s32 @!p0 $0x100000, s1;
	[bflag:$0x2] =	sbarrier.arrive $0xFFFF  }
0x36: {  	[sflag:s0] =	ssyncadd.tile.s32 @!p0 $0x1;
	_ =	shalt  }
.Lfunc_end2:
_tile_overlayer_lowered:
.L_overlay_start_2:
0x37: {  	(tag) =	ssettag $0x2  }
0x38: {  	s0 =	rddreg [dreg:$0x0];
	s2 =	stileid.u32  }
0x39: {  	s1 =	rddreg [dreg:$0x1];
	p0 =	sne.s32 s2, $0x0  }
0x3a: {  	s3 =	rddreg [dreg:$0x2];
	[bflag:$0x3] =	sbarrier.arrive $0xFFFF;
	s2 =	simm.s32 @!p0 $0x1C01  }
0x3b: {  	[timem:s3], [sflag:s2] =	dma.local @!p0 [hbm:s0], s1  }
0x3c: {  	s0 =	simm.s32 @!p0 $0x1  }
0x3d: {  	_ =	swait.ge @!p0 [sflag:s0], s1  }
0x3e: {  	s1 =	ssub.s32 @!p0 $0x0, s1;
	[sflag:s0] =	ssyncset.done @!p0 $0x0  }
0x3f: {  	[sflag:s0] =	ssyncadd.s32 @!p0 s1  }
0x40: {  	[bflag:$0x3] =	sbarrier.arrive $0xFFFF  }
0x41: {  	_ =	shalt  }

</sc_bundles>
